<compile_context>
chip_gen: v7x
topology: tpu7x:2x2x1
jax: 0.10.2.dev20260603
libtpu: 0.0.44.dev20260713+nightly
codegen_flags: <defaults>
</compile_context>

<pallas_src>
import functools

import jax
import jax.numpy as jnp
from jax import lax
from jax.experimental import pallas as pl
from jax.experimental.pallas import tpu as pltpu
from jax.experimental.pallas import tpu_sc as plsc

_VOCAB_SIZE = 1000000
_MOD = _VOCAB_SIZE - 1
_L = 16

_NUM_CORES = 2
_NUM_SUBCORES = 16
_NW = _NUM_CORES * _NUM_SUBCORES

_CHUNK = 128
_PAD = 8


@functools.partial(jax.jit, static_argnames=("seq", "dim"))
def _sc_embed(curr, table, scale16, *, seq, dim):
    n = curr.shape[0]
    per_w = n // _NW
    nchunk = per_w // _CHUNK
    vperchunk = _CHUNK // _L

    mesh = plsc.VectorSubcoreMesh(
        core_axis_name="c", subcore_axis_name="s",
        num_cores=_NUM_CORES, num_subcores=_NUM_SUBCORES)

    @functools.partial(
        pl.kernel,
        out_type=jax.ShapeDtypeStruct((n, dim), jnp.float32),
        mesh=mesh,
        scratch_types=[
            pltpu.VMEM((per_w + 2 * _PAD,), jnp.int32),
            pltpu.VMEM((nchunk, _CHUNK), jnp.int32),
            pltpu.VMEM((7, _CHUNK, dim), jnp.float32),
            pltpu.VMEM((_L,), jnp.float32),
            pltpu.SemaphoreType.DMA((7,)),
            pltpu.SemaphoreType.DMA((7,)),
        ],
    )
    def k(curr_h, table_h, scale_h, out_h,
          tok, idx, rows, sv_ref, gsems, osems):
        wid = lax.axis_index("s") * _NUM_CORES + lax.axis_index("c")
        base = wid * per_w

        @pl.when(wid == 0)
        def _():
            pltpu.sync_copy(curr_h.at[pl.ds(0, per_w + _PAD)],
                            tok.at[pl.ds(_PAD, per_w + _PAD)])

        @pl.when(wid != 0)
        def _():
            pltpu.sync_copy(curr_h.at[pl.ds(base - _PAD, per_w + 2 * _PAD)],
                            tok)

        pltpu.sync_copy(scale_h, sv_ref)
        sv = sv_ref[...]

        nbuf = 7
        depth = 5
        lane = lax.iota(jnp.int32, _L)

        def hash_body(i):
            off = i * _L
            tp = tok[pl.ds(off + _PAD - 1, _L)]
            tc = tok[pl.ds(off + _PAD, _L)]
            h = (jnp.int32(36313) * tc) ^ (jnp.int32(27191) * tp)
            h = h % jnp.int32(_MOD)
            pos = base + off + lane
            h = jnp.where((pos & jnp.int32(seq - 1)) == 0, jnp.int32(_MOD), h)
            c = lax.shift_right_logical(i, 3)
            idx[c, pl.ds((i & (vperchunk - 1)) * _L, _L)] = h

        plsc.parallel_loop(0, vperchunk, unroll=2)(hash_body)
        pltpu.async_copy(table_h.at[idx.at[0]], rows.at[0], gsems.at[0])
        plsc.parallel_loop(vperchunk, per_w // _L, unroll=2)(hash_body)
        for j in range(1, 1 + depth):
            pltpu.async_copy(table_h.at[idx.at[j]], rows.at[j], gsems.at[j])

        def pipe_body(c, _):
            buf = lax.rem(c, nbuf)
            pltpu.make_async_copy(
                table_h.at[idx.at[c]], rows.at[buf], gsems.at[buf]).wait()

            @plsc.parallel_loop(0, _CHUNK, unroll=4)
            def _(r):
                for kk in range(dim // _L):
                    s = pl.ds(kk * _L, _L)
                    rows[buf, r, s] = rows[buf, r, s] * sv

            pltpu.async_copy(
                rows.at[buf],
                out_h.at[pl.ds(base + c * _CHUNK, _CHUNK)],
                osems.at[buf])

            nxt = c + 1 + depth
            @pl.when(nxt < nchunk)
            def _():
                buf2 = lax.rem(nxt, nbuf)

                @pl.when(nxt >= nbuf)
                def _():
                    pltpu.make_async_copy(
                        rows.at[buf2],
                        out_h.at[pl.ds(base + (nxt - nbuf) * _CHUNK, _CHUNK)],
                        osems.at[buf2]).wait()

                pltpu.async_copy(
                    table_h.at[idx.at[nxt]], rows.at[buf2], gsems.at[buf2])

            return 0

        lax.fori_loop(0, nchunk, pipe_body, 0)
        for p in range(nchunk - nbuf, nchunk):
            pb = p % nbuf
            pltpu.make_async_copy(
                rows.at[pb],
                out_h.at[pl.ds(base + p * _CHUNK, _CHUNK)],
                osems.at[pb]).wait()

    return k(curr, table, scale16)


def kernel(token_ids, embed_weight, scale):
    b, seq = token_ids.shape
    dim = embed_weight.shape[1]
    flat = token_ids.reshape(-1).astype(jnp.int32)
    scale16 = jnp.broadcast_to(scale.astype(jnp.float32), (_L,))
    out = _sc_embed(flat, embed_weight, scale16, seq=seq, dim=dim)
    return out.reshape(b, seq, dim)

# --- scband reference (transcript-rebuilt; emitter-appended) ---
"""Pipeline reference for scband-bigram-hash-embedding-17806934409706 (READ-ONLY COPY).

The authoritative reference and input builder live on the scoring server;
editing this copy changes nothing except your own understanding.
"""

import jax, jax.numpy as jnp
import numpy as np

VOCAB_SIZE = 1000000
BIGRAM_DIM = 128
MODEL_DIM = 128
BATCH = 4
SEQ = 8192


def bigram_hash(tokens, vocab_size):
    t = tokens.astype(jnp.int32)
    mod_val = vocab_size - 1
    t_curr = t[:, 1:]
    t_prev = t[:, :-1]
    hash_val = jnp.bitwise_xor(jnp.int32(36313) * t_curr, jnp.int32(27191) * t_prev) % jnp.int32(mod_val)
    first = jnp.full((t.shape[0], 1), mod_val, dtype=jnp.int32)
    out = jnp.concatenate([first, hash_val], axis=1)
    return out


def setup_inputs(seed: int = 0) -> dict:
    key = jax.random.key(seed)
    k1, k2 = jax.random.split(key, 2)
    token_ids = jax.random.randint(k1, (BATCH, SEQ), 0, VOCAB_SIZE, dtype=jnp.int32).astype(jnp.int64)
    embed_weight = jax.random.normal(k2, (VOCAB_SIZE, BIGRAM_DIM), dtype=jnp.float32) * 0.02
    scale = jnp.asarray(0.05, dtype=jnp.float32)
    return {"token_ids": token_ids, "embed_weight": embed_weight, "scale": scale}


def reference(token_ids, embed_weight, scale):
    # bigram_dim == model_dim so proj is None in the original module
    idx = bigram_hash(token_ids, VOCAB_SIZE)
    h = jnp.take(embed_weight, idx, axis=0)
    return h * scale

if __name__ == "__main__":
    import jax
    _d = setup_inputs()
    print(jax.jit(kernel)(*tuple(_d.values())))

</pallas_src>

<mosaic_0001>
#map = affine_map<(d0, d1) -> (0)>
#map1 = affine_map<(d0, d1) -> (0, 0)>
module attributes {stable_mosaic.version = 14 : i64} {
  func.func @k(%arg0: i32, %arg1: i32, %arg2: memref<32768xi32, #tpu.memory_space<hbm>>, %arg3: memref<1000000x128xf32, #tpu.memory_space<hbm>>, %arg4: memref<16xf32, #tpu.memory_space<hbm>>, %arg5: memref<32768x128xf32, #tpu.memory_space<hbm>>, %arg6: memref<1040xi32, #tpu.memory_space<vmem>>, %arg7: memref<8x128xi32, #tpu.memory_space<vmem>>, %arg8: memref<7x128x128xf32, #tpu.memory_space<vmem>>, %arg9: memref<16xf32, #tpu.memory_space<vmem>>, %arg10: memref<7x!tpu.dma_semaphore, #tpu.memory_space<semaphore_mem>>, %arg11: memref<7x!tpu.dma_semaphore, #tpu.memory_space<semaphore_mem>>) attributes {dimension_semantics = [#tpu.dimension_semantics<core_parallel>, #tpu.dimension_semantics<subcore_parallel>], iteration_bounds = array<i64: 2, 16>, scalar_prefetch = 0 : i64, scratch_operands = 6 : i64, tpu.core_type = #tpu.core_type<sc_vector_subcore>, window_params = [{transform_indices = #map}, {transform_indices = #map1}, {transform_indices = #map}, {transform_indices = #map1}]} {
    %mul3A = arith.constant 2 : i32
    %mul3A_0 = arith.muli %arg1, %mul3A : i32
    %add3A = arith.addi %mul3A_0, %arg0 : i32
    %mul3A_1 = arith.constant 1024 : i32
    %mul3A_2 = arith.muli %add3A, %mul3A_1 : i32
    %eq3A = arith.constant 0 : i32
    %eq3A_3 = arith.cmpi eq, %add3A, %eq3A : i32
    %convert_element_type3A = arith.extui %eq3A_3 : i1 to i32
    %cond3A = arith.constant 0 : i32
    %cond3A_4 = arith.cmpi ne, %convert_element_type3A, %cond3A : i32
    scf.if %cond3A_4 {
      "tpu.region"() ({
        %run_scoped3A = tpu.sem_alloc : memref<!tpu.dma_semaphore, #tpu.memory_space<semaphore_mem>>
        %dma_start3A_236 = arith.constant 8 : i32
        %dma_start3A_237 = tpu.memref_slice %arg6[%dma_start3A_236] : memref<1040xi32, #tpu.memory_space<vmem>> -> memref<1032xi32, #tpu.memory_space<vmem>>
        %dma_start3A_238 = arith.constant 0 : i32
        %dma_start3A_239 = tpu.memref_slice %arg2[%dma_start3A_238] : memref<32768xi32, #tpu.memory_space<hbm>> -> memref<1032xi32, #tpu.memory_space<hbm>>
        %dma_start3A_240 = arith.constant 8 : i32
        %dma_start3A_241 = tpu.memref_slice %arg6[%dma_start3A_240] : memref<1040xi32, #tpu.memory_space<vmem>> -> memref<1032xi32, #tpu.memory_space<vmem>>
        %dma_start3A_242 = arith.constant 0 : i32
        %dma_start3A_243 = tpu.memref_slice %arg2[%dma_start3A_242] : memref<32768xi32, #tpu.memory_space<hbm>> -> memref<1032xi32, #tpu.memory_space<hbm>>
        tpu.enqueue_dma source(%dma_start3A_243 : memref<1032xi32, #tpu.memory_space<hbm>>) target(%dma_start3A_241 : memref<1032xi32, #tpu.memory_space<vmem>>) target_semaphore(%run_scoped3A : memref<!tpu.dma_semaphore, #tpu.memory_space<semaphore_mem>>)
        %dma_wait3A_244 = arith.constant 8 : i32
        %dma_wait3A_245 = tpu.memref_slice %arg6[%dma_wait3A_244] : memref<1040xi32, #tpu.memory_space<vmem>> -> memref<1032xi32, #tpu.memory_space<vmem>>
        %dma_wait3A_246 = arith.constant 0 : i32
        %dma_wait3A_247 = tpu.memref_slice %arg2[%dma_wait3A_246] : memref<32768xi32, #tpu.memory_space<hbm>> -> memref<1032xi32, #tpu.memory_space<hbm>>
        %dma_wait3A_248 = arith.constant 8 : i32
        %dma_wait3A_249 = tpu.memref_slice %arg6[%dma_wait3A_248] : memref<1040xi32, #tpu.memory_space<vmem>> -> memref<1032xi32, #tpu.memory_space<vmem>>
        %dma_wait3A_250 = arith.constant 0 : i32
        %dma_wait3A_251 = tpu.memref_slice %arg2[%dma_wait3A_250] : memref<32768xi32, #tpu.memory_space<hbm>> -> memref<1032xi32, #tpu.memory_space<hbm>>
        tpu.wait_dma2 semaphore(%run_scoped3A : memref<!tpu.dma_semaphore, #tpu.memory_space<semaphore_mem>>) src(%dma_wait3A_251 : memref<1032xi32, #tpu.memory_space<hbm>>) dst(%dma_wait3A_249 : memref<1032xi32, #tpu.memory_space<vmem>>)
        tpu.yield
      }) : () -> ()
    } else {
    }
    %ne3A = arith.constant 0 : i32
    %ne3A_5 = arith.cmpi ne, %add3A, %ne3A : i32
    %convert_element_type3A_6 = arith.extui %ne3A_5 : i1 to i32
    %cond3A_7 = arith.constant 0 : i32
    %cond3A_8 = arith.cmpi ne, %convert_element_type3A_6, %cond3A_7 : i32
    scf.if %cond3A_8 {
      %sub3A = arith.constant 8 : i32
      %sub3A_236 = arith.subi %mul3A_2, %sub3A : i32
      "tpu.region"() ({
        %run_scoped3A = tpu.sem_alloc : memref<!tpu.dma_semaphore, #tpu.memory_space<semaphore_mem>>
        %dma_start3A_237 = tpu.memref_slice %arg2[%sub3A_236] : memref<32768xi32, #tpu.memory_space<hbm>> -> memref<1040xi32, #tpu.memory_space<hbm>>
        %dma_start3A_238 = tpu.memref_slice %arg2[%sub3A_236] : memref<32768xi32, #tpu.memory_space<hbm>> -> memref<1040xi32, #tpu.memory_space<hbm>>
        tpu.enqueue_dma source(%dma_start3A_238 : memref<1040xi32, #tpu.memory_space<hbm>>) target(%arg6 : memref<1040xi32, #tpu.memory_space<vmem>>) target_semaphore(%run_scoped3A : memref<!tpu.dma_semaphore, #tpu.memory_space<semaphore_mem>>)
        %dma_wait3A_239 = tpu.memref_slice %arg2[%sub3A_236] : memref<32768xi32, #tpu.memory_space<hbm>> -> memref<1040xi32, #tpu.memory_space<hbm>>
        %dma_wait3A_240 = tpu.memref_slice %arg2[%sub3A_236] : memref<32768xi32, #tpu.memory_space<hbm>> -> memref<1040xi32, #tpu.memory_space<hbm>>
        tpu.wait_dma2 semaphore(%run_scoped3A : memref<!tpu.dma_semaphore, #tpu.memory_space<semaphore_mem>>) src(%dma_wait3A_240 : memref<1040xi32, #tpu.memory_space<hbm>>) dst(%arg6 : memref<1040xi32, #tpu.memory_space<vmem>>)
        tpu.yield
      }) : () -> ()
    } else {
    }
    "tpu.region"() ({
      %run_scoped3A = tpu.sem_alloc : memref<!tpu.dma_semaphore, #tpu.memory_space<semaphore_mem>>
      tpu.enqueue_dma source(%arg4 : memref<16xf32, #tpu.memory_space<hbm>>) target(%arg9 : memref<16xf32, #tpu.memory_space<vmem>>) target_semaphore(%run_scoped3A : memref<!tpu.dma_semaphore, #tpu.memory_space<semaphore_mem>>)
      tpu.wait_dma2 semaphore(%run_scoped3A : memref<!tpu.dma_semaphore, #tpu.memory_space<semaphore_mem>>) src(%arg4 : memref<16xf32, #tpu.memory_space<hbm>>) dst(%arg9 : memref<16xf32, #tpu.memory_space<vmem>>)
      tpu.yield
    }) : () -> ()
    %get3A = arith.constant 0 : index
    %get3A_9 = tpu.vector_load %arg9[%get3A] {strides = array<i32>} : memref<16xf32, #tpu.memory_space<vmem>>, vector<16xf32>,
    %get3A_10 = vector.shape_cast %get3A_9 : vector<16xf32> to vector<16xf32>
    %iota3A = tpu.iota {dimensions = array<i32: 0>} : vector<16xi32>
    %parallel_loop3A = arith.constant 0 : i32
    %parallel_loop3A_11 = arith.constant 8 : i32
    %parallel_loop3A_12 = arith.constant 1 : i32
    scf.for %parallel_loop3A_236 = %parallel_loop3A to %parallel_loop3A_11 step %parallel_loop3A_12  : i32 {
      %parallel_loop3A_237 = arith.constant 16 : i32
      %parallel_loop3A_238 = arith.muli %parallel_loop3A_236, %parallel_loop3A_237 : i32
      %parallel_loop3A_239 = arith.constant 8 : i32
      %parallel_loop3A_240 = arith.addi %parallel_loop3A_238, %parallel_loop3A_239 : i32
      %parallel_loop3A_241 = arith.constant 1 : i32
      %parallel_loop3A_242 = arith.subi %parallel_loop3A_240, %parallel_loop3A_241 : i32
      %parallel_loop3A_243 = arith.index_cast %parallel_loop3A_242 : i32 to index
      %parallel_loop3A_244 = tpu.vector_load %arg6[%parallel_loop3A_243] {strides = array<i32>} : memref<1040xi32, #tpu.memory_space<vmem>>, vector<16xi32>,
      %parallel_loop3A_245 = vector.shape_cast %parallel_loop3A_244 : vector<16xi32> to vector<16xi32>
      %parallel_loop3A_246 = arith.constant 8 : i32
      %parallel_loop3A_247 = arith.addi %parallel_loop3A_238, %parallel_loop3A_246 : i32
      %parallel_loop3A_248 = arith.index_cast %parallel_loop3A_247 : i32 to index
      %parallel_loop3A_249 = tpu.vector_load %arg6[%parallel_loop3A_248] {strides = array<i32>} : memref<1040xi32, #tpu.memory_space<vmem>>, vector<16xi32>,
      %parallel_loop3A_250 = vector.shape_cast %parallel_loop3A_249 : vector<16xi32> to vector<16xi32>
      %parallel_loop3A_251 = arith.constant 36313 : i32
      %parallel_loop3A_252 = vector.broadcast %parallel_loop3A_251 : i32 to vector<16xi32>
      %parallel_loop3A_253 = arith.muli %parallel_loop3A_252, %parallel_loop3A_250 : vector<16xi32>
      %parallel_loop3A_254 = arith.constant 27191 : i32
      %parallel_loop3A_255 = vector.broadcast %parallel_loop3A_254 : i32 to vector<16xi32>
      %parallel_loop3A_256 = arith.muli %parallel_loop3A_255, %parallel_loop3A_245 : vector<16xi32>
      %parallel_loop3A_257 = arith.xori %parallel_loop3A_253, %parallel_loop3A_256 : vector<16xi32>
      %parallel_loop3A_258 = arith.constant 999999 : i32
      %parallel_loop3A_259 = arith.constant 0 : i32
      %parallel_loop3A_260 = arith.cmpi eq, %parallel_loop3A_258, %parallel_loop3A_259 : i32
      %parallel_loop3A_261 = arith.constant 1 : i32
      %parallel_loop3A_262 = arith.select %parallel_loop3A_260, %parallel_loop3A_261, %parallel_loop3A_258 : i32
      %parallel_loop3A_263 = vector.broadcast %parallel_loop3A_262 : i32 to vector<16xi32>
      %parallel_loop3A_264 = arith.remsi %parallel_loop3A_257, %parallel_loop3A_263 : vector<16xi32>
      %parallel_loop3A_265 = arith.constant 0 : i32
      %parallel_loop3A_266 = vector.broadcast %parallel_loop3A_265 : i32 to vector<16xi32>
      %parallel_loop3A_267 = arith.cmpi ne, %parallel_loop3A_264, %parallel_loop3A_266 : vector<16xi32>
      %parallel_loop3A_268 = arith.constant 0 : i32
      %parallel_loop3A_269 = vector.broadcast %parallel_loop3A_268 : i32 to vector<16xi32>
      %parallel_loop3A_270 = arith.cmpi slt, %parallel_loop3A_264, %parallel_loop3A_269 : vector<16xi32>
      %parallel_loop3A_271 = arith.constant 0 : i32
      %parallel_loop3A_272 = arith.cmpi slt, %parallel_loop3A_262, %parallel_loop3A_271 : i32
      %parallel_loop3A_273 = vector.broadcast %parallel_loop3A_272 : i1 to vector<16xi1>
      %parallel_loop3A_274 = vector.broadcast %parallel_loop3A_273 : vector<16xi1> to vector<16xi1>
      %parallel_loop3A_275 = arith.xori %parallel_loop3A_270, %parallel_loop3A_274 : vector<16xi1>
      %parallel_loop3A_276 = arith.andi %parallel_loop3A_275, %parallel_loop3A_267 : vector<16xi1>
      %parallel_loop3A_277 = vector.broadcast %parallel_loop3A_262 : i32 to vector<16xi32>
      %parallel_loop3A_278 = arith.addi %parallel_loop3A_264, %parallel_loop3A_277 : vector<16xi32>
      %parallel_loop3A_279 = arith.select %parallel_loop3A_276, %parallel_loop3A_278, %parallel_loop3A_264 : vector<16xi1>, vector<16xi32>
      %parallel_loop3A_280 = arith.addi %mul3A_2, %parallel_loop3A_238 : i32
      %parallel_loop3A_281 = vector.broadcast %parallel_loop3A_280 : i32 to vector<16xi32>
      %parallel_loop3A_282 = arith.addi %parallel_loop3A_281, %iota3A : vector<16xi32>
      %parallel_loop3A_283 = arith.constant 8191 : i32
      %parallel_loop3A_284 = vector.broadcast %parallel_loop3A_283 : i32 to vector<16xi32>
      %parallel_loop3A_285 = arith.andi %parallel_loop3A_282, %parallel_loop3A_284 : vector<16xi32>
      %parallel_loop3A_286 = arith.constant 0 : i32
      %parallel_loop3A_287 = vector.broadcast %parallel_loop3A_286 : i32 to vector<16xi32>
      %parallel_loop3A_288 = arith.cmpi eq, %parallel_loop3A_285, %parallel_loop3A_287 : vector<16xi32>
      %parallel_loop3A_289 = arith.constant 999999 : i32
      %parallel_loop3A_290 = vector.broadcast %parallel_loop3A_289 : i32 to vector<16xi32>
      %parallel_loop3A_291 = arith.select %parallel_loop3A_288, %parallel_loop3A_290, %parallel_loop3A_279 : vector<16xi1>, vector<16xi32>
      %parallel_loop3A_292 = arith.constant 3 : i32
      %parallel_loop3A_293 = arith.shrui %parallel_loop3A_236, %parallel_loop3A_292 : i32
      %parallel_loop3A_294 = arith.constant 7 : i32
      %parallel_loop3A_295 = arith.andi %parallel_loop3A_236, %parallel_loop3A_294 : i32
      %parallel_loop3A_296 = arith.constant 16 : i32
      %parallel_loop3A_297 = arith.muli %parallel_loop3A_295, %parallel_loop3A_296 : i32
      %parallel_loop3A_298 = arith.index_cast %parallel_loop3A_293 : i32 to index
      %parallel_loop3A_299 = arith.index_cast %parallel_loop3A_297 : i32 to index
      %parallel_loop3A_300 = tpu.vector_load %arg7[%parallel_loop3A_298, %parallel_loop3A_299] {strides = array<i32>} : memref<8x128xi32, #tpu.memory_space<vmem>>, vector<1x16xi32>,
      %parallel_loop3A_301 = vector.shape_cast %parallel_loop3A_300 : vector<1x16xi32> to vector<16xi32>
      %parallel_loop3A_302 = vector.shape_cast %parallel_loop3A_291 : vector<16xi32> to vector<1x16xi32>
      tpu.vector_store %arg7[%parallel_loop3A_298, %parallel_loop3A_299], %parallel_loop3A_302 {strides = array<i32>} : memref<8x128xi32, #tpu.memory_space<vmem>>, vector<1x16xi32>,
    } {sc.loop_unroll_factor = 2 : i64, sc.parallel_access}
    %dma_start3A = arith.constant 0 : i32
    %dma_start3A_13 = arith.constant 0 : i32
    %dma_start3A_14 = arith.constant 0 : i32
    %dma_start3A_15 = arith.constant 0 : i32
    %dma_start3A_16 = arith.constant 0 : i32
    %dma_start3A_17 = tpu.memref_slice %arg8[%dma_start3A_13, %dma_start3A_15, %dma_start3A_16] : memref<7x128x128xf32, #tpu.memory_space<vmem>> -> memref<1x128x128xf32, #tpu.memory_space<vmem>>
    %dma_start3A_18 = tpu.memref_squeeze %dma_start3A_17 : memref<1x128x128xf32, #tpu.memory_space<vmem>> -> memref<128x128xf32, #tpu.memory_space<vmem>>
    %dma_start3A_19 = arith.constant 0 : i32
    %dma_start3A_20 = tpu.memref_slice %arg7[%dma_start3A, %dma_start3A_19] : memref<8x128xi32, #tpu.memory_space<vmem>> -> memref<1x128xi32, #tpu.memory_space<vmem>>
    %dma_start3A_21 = tpu.memref_squeeze %dma_start3A_20 : memref<1x128xi32, #tpu.memory_space<vmem>> -> memref<128xi32, #tpu.memory_space<vmem>>
    %dma_start3A_22 = arith.constant 0 : i32
    %dma_start3A_23 = arith.constant 0 : i32
    %dma_start3A_24 = tpu.memref_slice %arg3[%dma_start3A_22, %dma_start3A_23] : memref<1000000x128xf32, #tpu.memory_space<hbm>> -> memref<1000000x128xf32, #tpu.memory_space<hbm>>
    %dma_start3A_25 = tpu.memref_slice %arg10[%dma_start3A_14] : memref<7x!tpu.dma_semaphore, #tpu.memory_space<semaphore_mem>> -> memref<1x!tpu.dma_semaphore, #tpu.memory_space<semaphore_mem>>
    %dma_start3A_26 = tpu.memref_squeeze %dma_start3A_25 : memref<1x!tpu.dma_semaphore, #tpu.memory_space<semaphore_mem>> -> memref<!tpu.dma_semaphore, #tpu.memory_space<semaphore_mem>>
    tpu.enqueue_indirect_dma source(%dma_start3A_24 : memref<1000000x128xf32, #tpu.memory_space<hbm>>) target(%dma_start3A_18 : memref<128x128xf32, #tpu.memory_space<vmem>>) offsets(%dma_start3A_21 : memref<128xi32, #tpu.memory_space<vmem>>) semaphore(%dma_start3A_26 : memref<!tpu.dma_semaphore, #tpu.memory_space<semaphore_mem>>)
    %parallel_loop3A_27 = arith.constant 8 : i32
    %parallel_loop3A_28 = arith.constant 64 : i32
    %parallel_loop3A_29 = arith.constant 1 : i32
    scf.for %parallel_loop3A_236 = %parallel_loop3A_27 to %parallel_loop3A_28 step %parallel_loop3A_29  : i32 {
      %parallel_loop3A_237 = arith.constant 16 : i32
      %parallel_loop3A_238 = arith.muli %parallel_loop3A_236, %parallel_loop3A_237 : i32
      %parallel_loop3A_239 = arith.constant 8 : i32
      %parallel_loop3A_240 = arith.addi %parallel_loop3A_238, %parallel_loop3A_239 : i32
      %parallel_loop3A_241 = arith.constant 1 : i32
      %parallel_loop3A_242 = arith.subi %parallel_loop3A_240, %parallel_loop3A_241 : i32
      %parallel_loop3A_243 = arith.index_cast %parallel_loop3A_242 : i32 to index
      %parallel_loop3A_244 = tpu.vector_load %arg6[%parallel_loop3A_243] {strides = array<i32>} : memref<1040xi32, #tpu.memory_space<vmem>>, vector<16xi32>,
      %parallel_loop3A_245 = vector.shape_cast %parallel_loop3A_244 : vector<16xi32> to vector<16xi32>
      %parallel_loop3A_246 = arith.constant 8 : i32
      %parallel_loop3A_247 = arith.addi %parallel_loop3A_238, %parallel_loop3A_246 : i32
      %parallel_loop3A_248 = arith.index_cast %parallel_loop3A_247 : i32 to index
      %parallel_loop3A_249 = tpu.vector_load %arg6[%parallel_loop3A_248] {strides = array<i32>} : memref<1040xi32, #tpu.memory_space<vmem>>, vector<16xi32>,
      %parallel_loop3A_250 = vector.shape_cast %parallel_loop3A_249 : vector<16xi32> to vector<16xi32>
      %parallel_loop3A_251 = arith.constant 36313 : i32
      %parallel_loop3A_252 = vector.broadcast %parallel_loop3A_251 : i32 to vector<16xi32>
      %parallel_loop3A_253 = arith.muli %parallel_loop3A_252, %parallel_loop3A_250 : vector<16xi32>
      %parallel_loop3A_254 = arith.constant 27191 : i32
      %parallel_loop3A_255 = vector.broadcast %parallel_loop3A_254 : i32 to vector<16xi32>
      %parallel_loop3A_256 = arith.muli %parallel_loop3A_255, %parallel_loop3A_245 : vector<16xi32>
      %parallel_loop3A_257 = arith.xori %parallel_loop3A_253, %parallel_loop3A_256 : vector<16xi32>
      %parallel_loop3A_258 = arith.constant 999999 : i32
      %parallel_loop3A_259 = arith.constant 0 : i32
      %parallel_loop3A_260 = arith.cmpi eq, %parallel_loop3A_258, %parallel_loop3A_259 : i32
      %parallel_loop3A_261 = arith.constant 1 : i32
      %parallel_loop3A_262 = arith.select %parallel_loop3A_260, %parallel_loop3A_261, %parallel_loop3A_258 : i32
      %parallel_loop3A_263 = vector.broadcast %parallel_loop3A_262 : i32 to vector<16xi32>
      %parallel_loop3A_264 = arith.remsi %parallel_loop3A_257, %parallel_loop3A_263 : vector<16xi32>
      %parallel_loop3A_265 = arith.constant 0 : i32
      %parallel_loop3A_266 = vector.broadcast %parallel_loop3A_265 : i32 to vector<16xi32>
      %parallel_loop3A_267 = arith.cmpi ne, %parallel_loop3A_264, %parallel_loop3A_266 : vector<16xi32>
      %parallel_loop3A_268 = arith.constant 0 : i32
      %parallel_loop3A_269 = vector.broadcast %parallel_loop3A_268 : i32 to vector<16xi32>
      %parallel_loop3A_270 = arith.cmpi slt, %parallel_loop3A_264, %parallel_loop3A_269 : vector<16xi32>
      %parallel_loop3A_271 = arith.constant 0 : i32
      %parallel_loop3A_272 = arith.cmpi slt, %parallel_loop3A_262, %parallel_loop3A_271 : i32
      %parallel_loop3A_273 = vector.broadcast %parallel_loop3A_272 : i1 to vector<16xi1>
      %parallel_loop3A_274 = vector.broadcast %parallel_loop3A_273 : vector<16xi1> to vector<16xi1>
      %parallel_loop3A_275 = arith.xori %parallel_loop3A_270, %parallel_loop3A_274 : vector<16xi1>
      %parallel_loop3A_276 = arith.andi %parallel_loop3A_275, %parallel_loop3A_267 : vector<16xi1>
      %parallel_loop3A_277 = vector.broadcast %parallel_loop3A_262 : i32 to vector<16xi32>
      %parallel_loop3A_278 = arith.addi %parallel_loop3A_264, %parallel_loop3A_277 : vector<16xi32>
      %parallel_loop3A_279 = arith.select %parallel_loop3A_276, %parallel_loop3A_278, %parallel_loop3A_264 : vector<16xi1>, vector<16xi32>
      %parallel_loop3A_280 = arith.addi %mul3A_2, %parallel_loop3A_238 : i32
      %parallel_loop3A_281 = vector.broadcast %parallel_loop3A_280 : i32 to vector<16xi32>
      %parallel_loop3A_282 = arith.addi %parallel_loop3A_281, %iota3A : vector<16xi32>
      %parallel_loop3A_283 = arith.constant 8191 : i32
      %parallel_loop3A_284 = vector.broadcast %parallel_loop3A_283 : i32 to vector<16xi32>
      %parallel_loop3A_285 = arith.andi %parallel_loop3A_282, %parallel_loop3A_284 : vector<16xi32>
      %parallel_loop3A_286 = arith.constant 0 : i32
      %parallel_loop3A_287 = vector.broadcast %parallel_loop3A_286 : i32 to vector<16xi32>
      %parallel_loop3A_288 = arith.cmpi eq, %parallel_loop3A_285, %parallel_loop3A_287 : vector<16xi32>
      %parallel_loop3A_289 = arith.constant 999999 : i32
      %parallel_loop3A_290 = vector.broadcast %parallel_loop3A_289 : i32 to vector<16xi32>
      %parallel_loop3A_291 = arith.select %parallel_loop3A_288, %parallel_loop3A_290, %parallel_loop3A_279 : vector<16xi1>, vector<16xi32>
      %parallel_loop3A_292 = arith.constant 3 : i32
      %parallel_loop3A_293 = arith.shrui %parallel_loop3A_236, %parallel_loop3A_292 : i32
      %parallel_loop3A_294 = arith.constant 7 : i32
      %parallel_loop3A_295 = arith.andi %parallel_loop3A_236, %parallel_loop3A_294 : i32
      %parallel_loop3A_296 = arith.constant 16 : i32
      %parallel_loop3A_297 = arith.muli %parallel_loop3A_295, %parallel_loop3A_296 : i32
      %parallel_loop3A_298 = arith.index_cast %parallel_loop3A_293 : i32 to index
      %parallel_loop3A_299 = arith.index_cast %parallel_loop3A_297 : i32 to index
      %parallel_loop3A_300 = tpu.vector_load %arg7[%parallel_loop3A_298, %parallel_loop3A_299] {strides = array<i32>} : memref<8x128xi32, #tpu.memory_space<vmem>>, vector<1x16xi32>,
      %parallel_loop3A_301 = vector.shape_cast %parallel_loop3A_300 : vector<1x16xi32> to vector<16xi32>
      %parallel_loop3A_302 = vector.shape_cast %parallel_loop3A_291 : vector<16xi32> to vector<1x16xi32>
      tpu.vector_store %arg7[%parallel_loop3A_298, %parallel_loop3A_299], %parallel_loop3A_302 {strides = array<i32>} : memref<8x128xi32, #tpu.memory_space<vmem>>, vector<1x16xi32>,
    } {sc.loop_unroll_factor = 2 : i64, sc.parallel_access}
    %dma_start3A_30 = arith.constant 1 : i32
    %dma_start3A_31 = arith.constant 1 : i32
    %dma_start3A_32 = arith.constant 1 : i32
    %dma_start3A_33 = arith.constant 0 : i32
    %dma_start3A_34 = arith.constant 0 : i32
    %dma_start3A_35 = tpu.memref_slice %arg8[%dma_start3A_31, %dma_start3A_33, %dma_start3A_34] : memref<7x128x128xf32, #tpu.memory_space<vmem>> -> memref<1x128x128xf32, #tpu.memory_space<vmem>>
    %dma_start3A_36 = tpu.memref_squeeze %dma_start3A_35 : memref<1x128x128xf32, #tpu.memory_space<vmem>> -> memref<128x128xf32, #tpu.memory_space<vmem>>
    %dma_start3A_37 = arith.constant 0 : i32
    %dma_start3A_38 = tpu.memref_slice %arg7[%dma_start3A_30, %dma_start3A_37] : memref<8x128xi32, #tpu.memory_space<vmem>> -> memref<1x128xi32, #tpu.memory_space<vmem>>
    %dma_start3A_39 = tpu.memref_squeeze %dma_start3A_38 : memref<1x128xi32, #tpu.memory_space<vmem>> -> memref<128xi32, #tpu.memory_space<vmem>>
    %dma_start3A_40 = arith.constant 0 : i32
    %dma_start3A_41 = arith.constant 0 : i32
    %dma_start3A_42 = tpu.memref_slice %arg3[%dma_start3A_40, %dma_start3A_41] : memref<1000000x128xf32, #tpu.memory_space<hbm>> -> memref<1000000x128xf32, #tpu.memory_space<hbm>>
    %dma_start3A_43 = tpu.memref_slice %arg10[%dma_start3A_32] : memref<7x!tpu.dma_semaphore, #tpu.memory_space<semaphore_mem>> -> memref<1x!tpu.dma_semaphore, #tpu.memory_space<semaphore_mem>>
    %dma_start3A_44 = tpu.memref_squeeze %dma_start3A_43 : memref<1x!tpu.dma_semaphore, #tpu.memory_space<semaphore_mem>> -> memref<!tpu.dma_semaphore, #tpu.memory_space<semaphore_mem>>
    tpu.enqueue_indirect_dma source(%dma_start3A_42 : memref<1000000x128xf32, #tpu.memory_space<hbm>>) target(%dma_start3A_36 : memref<128x128xf32, #tpu.memory_space<vmem>>) offsets(%dma_start3A_39 : memref<128xi32, #tpu.memory_space<vmem>>) semaphore(%dma_start3A_44 : memref<!tpu.dma_semaphore, #tpu.memory_space<semaphore_mem>>)
    %dma_start3A_45 = arith.constant 2 : i32
    %dma_start3A_46 = arith.constant 2 : i32
    %dma_start3A_47 = arith.constant 2 : i32
    %dma_start3A_48 = arith.constant 0 : i32
    %dma_start3A_49 = arith.constant 0 : i32
    %dma_start3A_50 = tpu.memref_slice %arg8[%dma_start3A_46, %dma_start3A_48, %dma_start3A_49] : memref<7x128x128xf32, #tpu.memory_space<vmem>> -> memref<1x128x128xf32, #tpu.memory_space<vmem>>
    %dma_start3A_51 = tpu.memref_squeeze %dma_start3A_50 : memref<1x128x128xf32, #tpu.memory_space<vmem>> -> memref<128x128xf32, #tpu.memory_space<vmem>>
    %dma_start3A_52 = arith.constant 0 : i32
    %dma_start3A_53 = tpu.memref_slice %arg7[%dma_start3A_45, %dma_start3A_52] : memref<8x128xi32, #tpu.memory_space<vmem>> -> memref<1x128xi32, #tpu.memory_space<vmem>>
    %dma_start3A_54 = tpu.memref_squeeze %dma_start3A_53 : memref<1x128xi32, #tpu.memory_space<vmem>> -> memref<128xi32, #tpu.memory_space<vmem>>
    %dma_start3A_55 = arith.constant 0 : i32
    %dma_start3A_56 = arith.constant 0 : i32
    %dma_start3A_57 = tpu.memref_slice %arg3[%dma_start3A_55, %dma_start3A_56] : memref<1000000x128xf32, #tpu.memory_space<hbm>> -> memref<1000000x128xf32, #tpu.memory_space<hbm>>
    %dma_start3A_58 = tpu.memref_slice %arg10[%dma_start3A_47] : memref<7x!tpu.dma_semaphore, #tpu.memory_space<semaphore_mem>> -> memref<1x!tpu.dma_semaphore, #tpu.memory_space<semaphore_mem>>
    %dma_start3A_59 = tpu.memref_squeeze %dma_start3A_58 : memref<1x!tpu.dma_semaphore, #tpu.memory_space<semaphore_mem>> -> memref<!tpu.dma_semaphore, #tpu.memory_space<semaphore_mem>>
    tpu.enqueue_indirect_dma source(%dma_start3A_57 : memref<1000000x128xf32, #tpu.memory_space<hbm>>) target(%dma_start3A_51 : memref<128x128xf32, #tpu.memory_space<vmem>>) offsets(%dma_start3A_54 : memref<128xi32, #tpu.memory_space<vmem>>) semaphore(%dma_start3A_59 : memref<!tpu.dma_semaphore, #tpu.memory_space<semaphore_mem>>)
    %dma_start3A_60 = arith.constant 3 : i32
    %dma_start3A_61 = arith.constant 3 : i32
    %dma_start3A_62 = arith.constant 3 : i32
    %dma_start3A_63 = arith.constant 0 : i32
    %dma_start3A_64 = arith.constant 0 : i32
    %dma_start3A_65 = tpu.memref_slice %arg8[%dma_start3A_61, %dma_start3A_63, %dma_start3A_64] : memref<7x128x128xf32, #tpu.memory_space<vmem>> -> memref<1x128x128xf32, #tpu.memory_space<vmem>>
    %dma_start3A_66 = tpu.memref_squeeze %dma_start3A_65 : memref<1x128x128xf32, #tpu.memory_space<vmem>> -> memref<128x128xf32, #tpu.memory_space<vmem>>
    %dma_start3A_67 = arith.constant 0 : i32
    %dma_start3A_68 = tpu.memref_slice %arg7[%dma_start3A_60, %dma_start3A_67] : memref<8x128xi32, #tpu.memory_space<vmem>> -> memref<1x128xi32, #tpu.memory_space<vmem>>
    %dma_start3A_69 = tpu.memref_squeeze %dma_start3A_68 : memref<1x128xi32, #tpu.memory_space<vmem>> -> memref<128xi32, #tpu.memory_space<vmem>>
    %dma_start3A_70 = arith.constant 0 : i32
    %dma_start3A_71 = arith.constant 0 : i32
    %dma_start3A_72 = tpu.memref_slice %arg3[%dma_start3A_70, %dma_start3A_71] : memref<1000000x128xf32, #tpu.memory_space<hbm>> -> memref<1000000x128xf32, #tpu.memory_space<hbm>>
    %dma_start3A_73 = tpu.memref_slice %arg10[%dma_start3A_62] : memref<7x!tpu.dma_semaphore, #tpu.memory_space<semaphore_mem>> -> memref<1x!tpu.dma_semaphore, #tpu.memory_space<semaphore_mem>>
    %dma_start3A_74 = tpu.memref_squeeze %dma_start3A_73 : memref<1x!tpu.dma_semaphore, #tpu.memory_space<semaphore_mem>> -> memref<!tpu.dma_semaphore, #tpu.memory_space<semaphore_mem>>
    tpu.enqueue_indirect_dma source(%dma_start3A_72 : memref<1000000x128xf32, #tpu.memory_space<hbm>>) target(%dma_start3A_66 : memref<128x128xf32, #tpu.memory_space<vmem>>) offsets(%dma_start3A_69 : memref<128xi32, #tpu.memory_space<vmem>>) semaphore(%dma_start3A_74 : memref<!tpu.dma_semaphore, #tpu.memory_space<semaphore_mem>>)
    %dma_start3A_75 = arith.constant 4 : i32
    %dma_start3A_76 = arith.constant 4 : i32
    %dma_start3A_77 = arith.constant 4 : i32
    %dma_start3A_78 = arith.constant 0 : i32
    %dma_start3A_79 = arith.constant 0 : i32
    %dma_start3A_80 = tpu.memref_slice %arg8[%dma_start3A_76, %dma_start3A_78, %dma_start3A_79] : memref<7x128x128xf32, #tpu.memory_space<vmem>> -> memref<1x128x128xf32, #tpu.memory_space<vmem>>
    %dma_start3A_81 = tpu.memref_squeeze %dma_start3A_80 : memref<1x128x128xf32, #tpu.memory_space<vmem>> -> memref<128x128xf32, #tpu.memory_space<vmem>>
    %dma_start3A_82 = arith.constant 0 : i32
    %dma_start3A_83 = tpu.memref_slice %arg7[%dma_start3A_75, %dma_start3A_82] : memref<8x128xi32, #tpu.memory_space<vmem>> -> memref<1x128xi32, #tpu.memory_space<vmem>>
    %dma_start3A_84 = tpu.memref_squeeze %dma_start3A_83 : memref<1x128xi32, #tpu.memory_space<vmem>> -> memref<128xi32, #tpu.memory_space<vmem>>
    %dma_start3A_85 = arith.constant 0 : i32
    %dma_start3A_86 = arith.constant 0 : i32
    %dma_start3A_87 = tpu.memref_slice %arg3[%dma_start3A_85, %dma_start3A_86] : memref<1000000x128xf32, #tpu.memory_space<hbm>> -> memref<1000000x128xf32, #tpu.memory_space<hbm>>
    %dma_start3A_88 = tpu.memref_slice %arg10[%dma_start3A_77] : memref<7x!tpu.dma_semaphore, #tpu.memory_space<semaphore_mem>> -> memref<1x!tpu.dma_semaphore, #tpu.memory_space<semaphore_mem>>
    %dma_start3A_89 = tpu.memref_squeeze %dma_start3A_88 : memref<1x!tpu.dma_semaphore, #tpu.memory_space<semaphore_mem>> -> memref<!tpu.dma_semaphore, #tpu.memory_space<semaphore_mem>>
    tpu.enqueue_indirect_dma source(%dma_start3A_87 : memref<1000000x128xf32, #tpu.memory_space<hbm>>) target(%dma_start3A_81 : memref<128x128xf32, #tpu.memory_space<vmem>>) offsets(%dma_start3A_84 : memref<128xi32, #tpu.memory_space<vmem>>) semaphore(%dma_start3A_89 : memref<!tpu.dma_semaphore, #tpu.memory_space<semaphore_mem>>)
    %dma_start3A_90 = arith.constant 5 : i32
    %dma_start3A_91 = arith.constant 5 : i32
    %dma_start3A_92 = arith.constant 5 : i32
    %dma_start3A_93 = arith.constant 0 : i32
    %dma_start3A_94 = arith.constant 0 : i32
    %dma_start3A_95 = tpu.memref_slice %arg8[%dma_start3A_91, %dma_start3A_93, %dma_start3A_94] : memref<7x128x128xf32, #tpu.memory_space<vmem>> -> memref<1x128x128xf32, #tpu.memory_space<vmem>>
    %dma_start3A_96 = tpu.memref_squeeze %dma_start3A_95 : memref<1x128x128xf32, #tpu.memory_space<vmem>> -> memref<128x128xf32, #tpu.memory_space<vmem>>
    %dma_start3A_97 = arith.constant 0 : i32
    %dma_start3A_98 = tpu.memref_slice %arg7[%dma_start3A_90, %dma_start3A_97] : memref<8x128xi32, #tpu.memory_space<vmem>> -> memref<1x128xi32, #tpu.memory_space<vmem>>
    %dma_start3A_99 = tpu.memref_squeeze %dma_start3A_98 : memref<1x128xi32, #tpu.memory_space<vmem>> -> memref<128xi32, #tpu.memory_space<vmem>>
    %dma_start3A_100 = arith.constant 0 : i32
    %dma_start3A_101 = arith.constant 0 : i32
    %dma_start3A_102 = tpu.memref_slice %arg3[%dma_start3A_100, %dma_start3A_101] : memref<1000000x128xf32, #tpu.memory_space<hbm>> -> memref<1000000x128xf32, #tpu.memory_space<hbm>>
    %dma_start3A_103 = tpu.memref_slice %arg10[%dma_start3A_92] : memref<7x!tpu.dma_semaphore, #tpu.memory_space<semaphore_mem>> -> memref<1x!tpu.dma_semaphore, #tpu.memory_space<semaphore_mem>>
    %dma_start3A_104 = tpu.memref_squeeze %dma_start3A_103 : memref<1x!tpu.dma_semaphore, #tpu.memory_space<semaphore_mem>> -> memref<!tpu.dma_semaphore, #tpu.memory_space<semaphore_mem>>
    tpu.enqueue_indirect_dma source(%dma_start3A_102 : memref<1000000x128xf32, #tpu.memory_space<hbm>>) target(%dma_start3A_96 : memref<128x128xf32, #tpu.memory_space<vmem>>) offsets(%dma_start3A_99 : memref<128xi32, #tpu.memory_space<vmem>>) semaphore(%dma_start3A_104 : memref<!tpu.dma_semaphore, #tpu.memory_space<semaphore_mem>>)
    %scan3A = arith.constant 0 : i32
    %scan3A_105 = arith.constant 0 : i32
    %scan3A_106 = arith.constant 8 : i32
    %scan3A_107 = arith.addi %scan3A_105, %scan3A_106 : i32
    %scan3A_108 = arith.constant 1 : i32
    %scan3A_109 = scf.for %scan3A_236 = %scan3A_105 to %scan3A_107 step %scan3A_108 iter_args(%scan3A_237 = %scan3A) -> (i32)  : i32 {
      %rem3A = arith.constant 7 : i32
      %rem3A_238 = arith.remsi %scan3A_236, %rem3A : i32
      %dma_wait3A_239 = arith.constant 0 : i32
      %dma_wait3A_240 = arith.constant 0 : i32
      %dma_wait3A_241 = tpu.memref_slice %arg8[%rem3A_238, %dma_wait3A_239, %dma_wait3A_240] : memref<7x128x128xf32, #tpu.memory_space<vmem>> -> memref<1x128x128xf32, #tpu.memory_space<vmem>>
      %dma_wait3A_242 = tpu.memref_squeeze %dma_wait3A_241 : memref<1x128x128xf32, #tpu.memory_space<vmem>> -> memref<128x128xf32, #tpu.memory_space<vmem>>
      %dma_wait3A_243 = arith.constant 0 : i32
      %dma_wait3A_244 = tpu.memref_slice %arg7[%scan3A_236, %dma_wait3A_243] : memref<8x128xi32, #tpu.memory_space<vmem>> -> memref<1x128xi32, #tpu.memory_space<vmem>>
      %dma_wait3A_245 = tpu.memref_squeeze %dma_wait3A_244 : memref<1x128xi32, #tpu.memory_space<vmem>> -> memref<128xi32, #tpu.memory_space<vmem>>
      %dma_wait3A_246 = arith.constant 0 : i32
      %dma_wait3A_247 = arith.constant 0 : i32
      %dma_wait3A_248 = tpu.memref_slice %arg3[%dma_wait3A_246, %dma_wait3A_247] : memref<1000000x128xf32, #tpu.memory_space<hbm>> -> memref<1000000x128xf32, #tpu.memory_space<hbm>>
      %dma_wait3A_249 = tpu.memref_slice %arg10[%rem3A_238] : memref<7x!tpu.dma_semaphore, #tpu.memory_space<semaphore_mem>> -> memref<1x!tpu.dma_semaphore, #tpu.memory_space<semaphore_mem>>
      %dma_wait3A_250 = tpu.memref_squeeze %dma_wait3A_249 : memref<1x!tpu.dma_semaphore, #tpu.memory_space<semaphore_mem>> -> memref<!tpu.dma_semaphore, #tpu.memory_space<semaphore_mem>>
      tpu.wait_indirect_dma semaphore(%dma_wait3A_250 : memref<!tpu.dma_semaphore, #tpu.memory_space<semaphore_mem>>) src(%dma_wait3A_248 : memref<1000000x128xf32, #tpu.memory_space<hbm>>) dst(%dma_wait3A_242 : memref<128x128xf32, #tpu.memory_space<vmem>>)
      %parallel_loop3A_251 = arith.constant 0 : i32
      %parallel_loop3A_252 = arith.constant 128 : i32
      %parallel_loop3A_253 = arith.constant 1 : i32
      scf.for %parallel_loop3A_280 = %parallel_loop3A_251 to %parallel_loop3A_252 step %parallel_loop3A_253  : i32 {
        %parallel_loop3A_281 = arith.index_cast %rem3A_238 : i32 to index
        %parallel_loop3A_282 = arith.index_cast %parallel_loop3A_280 : i32 to index
        %parallel_loop3A_283 = arith.constant 0 : index
        %parallel_loop3A_284 = tpu.vector_load %arg8[%parallel_loop3A_281, %parallel_loop3A_282, %parallel_loop3A_283] {strides = array<i32>} : memref<7x128x128xf32, #tpu.memory_space<vmem>>, vector<1x1x16xf32>,
        %parallel_loop3A_285 = vector.shape_cast %parallel_loop3A_284 : vector<1x1x16xf32> to vector<16xf32>
        %parallel_loop3A_286 = arith.mulf %parallel_loop3A_285, %get3A_10 : vector<16xf32>
        %parallel_loop3A_287 = arith.index_cast %rem3A_238 : i32 to index
        %parallel_loop3A_288 = arith.index_cast %parallel_loop3A_280 : i32 to index
        %parallel_loop3A_289 = arith.constant 0 : index
        %parallel_loop3A_290 = tpu.vector_load %arg8[%parallel_loop3A_287, %parallel_loop3A_288, %parallel_loop3A_289] {strides = array<i32>} : memref<7x128x128xf32, #tpu.memory_space<vmem>>, vector<1x1x16xf32>,
        %parallel_loop3A_291 = vector.shape_cast %parallel_loop3A_290 : vector<1x1x16xf32> to vector<16xf32>
        %parallel_loop3A_292 = vector.shape_cast %parallel_loop3A_286 : vector<16xf32> to vector<1x1x16xf32>
        tpu.vector_store %arg8[%parallel_loop3A_287, %parallel_loop3A_288, %parallel_loop3A_289], %parallel_loop3A_292 {strides = array<i32>} : memref<7x128x128xf32, #tpu.memory_space<vmem>>, vector<1x1x16xf32>,
        %parallel_loop3A_293 = arith.index_cast %rem3A_238 : i32 to index
        %parallel_loop3A_294 = arith.index_cast %parallel_loop3A_280 : i32 to index
        %parallel_loop3A_295 = arith.constant 16 : index
        %parallel_loop3A_296 = tpu.vector_load %arg8[%parallel_loop3A_293, %parallel_loop3A_294, %parallel_loop3A_295] {strides = array<i32>} : memref<7x128x128xf32, #tpu.memory_space<vmem>>, vector<1x1x16xf32>,
        %parallel_loop3A_297 = vector.shape_cast %parallel_loop3A_296 : vector<1x1x16xf32> to vector<16xf32>
        %parallel_loop3A_298 = arith.mulf %parallel_loop3A_297, %get3A_10 : vector<16xf32>
        %parallel_loop3A_299 = arith.index_cast %rem3A_238 : i32 to index
        %parallel_loop3A_300 = arith.index_cast %parallel_loop3A_280 : i32 to index
        %parallel_loop3A_301 = arith.constant 16 : index
        %parallel_loop3A_302 = tpu.vector_load %arg8[%parallel_loop3A_299, %parallel_loop3A_300, %parallel_loop3A_301] {strides = array<i32>} : memref<7x128x128xf32, #tpu.memory_space<vmem>>, vector<1x1x16xf32>,
        %parallel_loop3A_303 = vector.shape_cast %parallel_loop3A_302 : vector<1x1x16xf32> to vector<16xf32>
        %parallel_loop3A_304 = vector.shape_cast %parallel_loop3A_298 : vector<16xf32> to vector<1x1x16xf32>
        tpu.vector_store %arg8[%parallel_loop3A_299, %parallel_loop3A_300, %parallel_loop3A_301], %parallel_loop3A_304 {strides = array<i32>} : memref<7x128x128xf32, #tpu.memory_space<vmem>>, vector<1x1x16xf32>,
        %parallel_loop3A_305 = arith.index_cast %rem3A_238 : i32 to index
        %parallel_loop3A_306 = arith.index_cast %parallel_loop3A_280 : i32 to index
        %parallel_loop3A_307 = arith.constant 32 : index
        %parallel_loop3A_308 = tpu.vector_load %arg8[%parallel_loop3A_305, %parallel_loop3A_306, %parallel_loop3A_307] {strides = array<i32>} : memref<7x128x128xf32, #tpu.memory_space<vmem>>, vector<1x1x16xf32>,
        %parallel_loop3A_309 = vector.shape_cast %parallel_loop3A_308 : vector<1x1x16xf32> to vector<16xf32>
        %parallel_loop3A_310 = arith.mulf %parallel_loop3A_309, %get3A_10 : vector<16xf32>
        %parallel_loop3A_311 = arith.index_cast %rem3A_238 : i32 to index
        %parallel_loop3A_312 = arith.index_cast %parallel_loop3A_280 : i32 to index
        %parallel_loop3A_313 = arith.constant 32 : index
        %parallel_loop3A_314 = tpu.vector_load %arg8[%parallel_loop3A_311, %parallel_loop3A_312, %parallel_loop3A_313] {strides = array<i32>} : memref<7x128x128xf32, #tpu.memory_space<vmem>>, vector<1x1x16xf32>,
        %parallel_loop3A_315 = vector.shape_cast %parallel_loop3A_314 : vector<1x1x16xf32> to vector<16xf32>
        %parallel_loop3A_316 = vector.shape_cast %parallel_loop3A_310 : vector<16xf32> to vector<1x1x16xf32>
        tpu.vector_store %arg8[%parallel_loop3A_311, %parallel_loop3A_312, %parallel_loop3A_313], %parallel_loop3A_316 {strides = array<i32>} : memref<7x128x128xf32, #tpu.memory_space<vmem>>, vector<1x1x16xf32>,
        %parallel_loop3A_317 = arith.index_cast %rem3A_238 : i32 to index
        %parallel_loop3A_318 = arith.index_cast %parallel_loop3A_280 : i32 to index
        %parallel_loop3A_319 = arith.constant 48 : index
        %parallel_loop3A_320 = tpu.vector_load %arg8[%parallel_loop3A_317, %parallel_loop3A_318, %parallel_loop3A_319] {strides = array<i32>} : memref<7x128x128xf32, #tpu.memory_space<vmem>>, vector<1x1x16xf32>,
        %parallel_loop3A_321 = vector.shape_cast %parallel_loop3A_320 : vector<1x1x16xf32> to vector<16xf32>
        %parallel_loop3A_322 = arith.mulf %parallel_loop3A_321, %get3A_10 : vector<16xf32>
        %parallel_loop3A_323 = arith.index_cast %rem3A_238 : i32 to index
        %parallel_loop3A_324 = arith.index_cast %parallel_loop3A_280 : i32 to index
        %parallel_loop3A_325 = arith.constant 48 : index
        %parallel_loop3A_326 = tpu.vector_load %arg8[%parallel_loop3A_323, %parallel_loop3A_324, %parallel_loop3A_325] {strides = array<i32>} : memref<7x128x128xf32, #tpu.memory_space<vmem>>, vector<1x1x16xf32>,
        %parallel_loop3A_327 = vector.shape_cast %parallel_loop3A_326 : vector<1x1x16xf32> to vector<16xf32>
        %parallel_loop3A_328 = vector.shape_cast %parallel_loop3A_322 : vector<16xf32> to vector<1x1x16xf32>
        tpu.vector_store %arg8[%parallel_loop3A_323, %parallel_loop3A_324, %parallel_loop3A_325], %parallel_loop3A_328 {strides = array<i32>} : memref<7x128x128xf32, #tpu.memory_space<vmem>>, vector<1x1x16xf32>,
        %parallel_loop3A_329 = arith.index_cast %rem3A_238 : i32 to index
        %parallel_loop3A_330 = arith.index_cast %parallel_loop3A_280 : i32 to index
        %parallel_loop3A_331 = arith.constant 64 : index
        %parallel_loop3A_332 = tpu.vector_load %arg8[%parallel_loop3A_329, %parallel_loop3A_330, %parallel_loop3A_331] {strides = array<i32>} : memref<7x128x128xf32, #tpu.memory_space<vmem>>, vector<1x1x16xf32>,
        %parallel_loop3A_333 = vector.shape_cast %parallel_loop3A_332 : vector<1x1x16xf32> to vector<16xf32>
        %parallel_loop3A_334 = arith.mulf %parallel_loop3A_333, %get3A_10 : vector<16xf32>
        %parallel_loop3A_335 = arith.index_cast %rem3A_238 : i32 to index
        %parallel_loop3A_336 = arith.index_cast %parallel_loop3A_280 : i32 to index
        %parallel_loop3A_337 = arith.constant 64 : index
        %parallel_loop3A_338 = tpu.vector_load %arg8[%parallel_loop3A_335, %parallel_loop3A_336, %parallel_loop3A_337] {strides = array<i32>} : memref<7x128x128xf32, #tpu.memory_space<vmem>>, vector<1x1x16xf32>,
        %parallel_loop3A_339 = vector.shape_cast %parallel_loop3A_338 : vector<1x1x16xf32> to vector<16xf32>
        %parallel_loop3A_340 = vector.shape_cast %parallel_loop3A_334 : vector<16xf32> to vector<1x1x16xf32>
        tpu.vector_store %arg8[%parallel_loop3A_335, %parallel_loop3A_336, %parallel_loop3A_337], %parallel_loop3A_340 {strides = array<i32>} : memref<7x128x128xf32, #tpu.memory_space<vmem>>, vector<1x1x16xf32>,
        %parallel_loop3A_341 = arith.index_cast %rem3A_238 : i32 to index
        %parallel_loop3A_342 = arith.index_cast %parallel_loop3A_280 : i32 to index
        %parallel_loop3A_343 = arith.constant 80 : index
        %parallel_loop3A_344 = tpu.vector_load %arg8[%parallel_loop3A_341, %parallel_loop3A_342, %parallel_loop3A_343] {strides = array<i32>} : memref<7x128x128xf32, #tpu.memory_space<vmem>>, vector<1x1x16xf32>,
        %parallel_loop3A_345 = vector.shape_cast %parallel_loop3A_344 : vector<1x1x16xf32> to vector<16xf32>
        %parallel_loop3A_346 = arith.mulf %parallel_loop3A_345, %get3A_10 : vector<16xf32>
        %parallel_loop3A_347 = arith.index_cast %rem3A_238 : i32 to index
        %parallel_loop3A_348 = arith.index_cast %parallel_loop3A_280 : i32 to index
        %parallel_loop3A_349 = arith.constant 80 : index
        %parallel_loop3A_350 = tpu.vector_load %arg8[%parallel_loop3A_347, %parallel_loop3A_348, %parallel_loop3A_349] {strides = array<i32>} : memref<7x128x128xf32, #tpu.memory_space<vmem>>, vector<1x1x16xf32>,
        %parallel_loop3A_351 = vector.shape_cast %parallel_loop3A_350 : vector<1x1x16xf32> to vector<16xf32>
        %parallel_loop3A_352 = vector.shape_cast %parallel_loop3A_346 : vector<16xf32> to vector<1x1x16xf32>
        tpu.vector_store %arg8[%parallel_loop3A_347, %parallel_loop3A_348, %parallel_loop3A_349], %parallel_loop3A_352 {strides = array<i32>} : memref<7x128x128xf32, #tpu.memory_space<vmem>>, vector<1x1x16xf32>,
        %parallel_loop3A_353 = arith.index_cast %rem3A_238 : i32 to index
        %parallel_loop3A_354 = arith.index_cast %parallel_loop3A_280 : i32 to index
        %parallel_loop3A_355 = arith.constant 96 : index
        %parallel_loop3A_356 = tpu.vector_load %arg8[%parallel_loop3A_353, %parallel_loop3A_354, %parallel_loop3A_355] {strides = array<i32>} : memref<7x128x128xf32, #tpu.memory_space<vmem>>, vector<1x1x16xf32>,
        %parallel_loop3A_357 = vector.shape_cast %parallel_loop3A_356 : vector<1x1x16xf32> to vector<16xf32>
        %parallel_loop3A_358 = arith.mulf %parallel_loop3A_357, %get3A_10 : vector<16xf32>
        %parallel_loop3A_359 = arith.index_cast %rem3A_238 : i32 to index
        %parallel_loop3A_360 = arith.index_cast %parallel_loop3A_280 : i32 to index
        %parallel_loop3A_361 = arith.constant 96 : index
        %parallel_loop3A_362 = tpu.vector_load %arg8[%parallel_loop3A_359, %parallel_loop3A_360, %parallel_loop3A_361] {strides = array<i32>} : memref<7x128x128xf32, #tpu.memory_space<vmem>>, vector<1x1x16xf32>,
        %parallel_loop3A_363 = vector.shape_cast %parallel_loop3A_362 : vector<1x1x16xf32> to vector<16xf32>
        %parallel_loop3A_364 = vector.shape_cast %parallel_loop3A_358 : vector<16xf32> to vector<1x1x16xf32>
        tpu.vector_store %arg8[%parallel_loop3A_359, %parallel_loop3A_360, %parallel_loop3A_361], %parallel_loop3A_364 {strides = array<i32>} : memref<7x128x128xf32, #tpu.memory_space<vmem>>, vector<1x1x16xf32>,
        %parallel_loop3A_365 = arith.index_cast %rem3A_238 : i32 to index
        %parallel_loop3A_366 = arith.index_cast %parallel_loop3A_280 : i32 to index
        %parallel_loop3A_367 = arith.constant 112 : index
        %parallel_loop3A_368 = tpu.vector_load %arg8[%parallel_loop3A_365, %parallel_loop3A_366, %parallel_loop3A_367] {strides = array<i32>} : memref<7x128x128xf32, #tpu.memory_space<vmem>>, vector<1x1x16xf32>,
        %parallel_loop3A_369 = vector.shape_cast %parallel_loop3A_368 : vector<1x1x16xf32> to vector<16xf32>
        %parallel_loop3A_370 = arith.mulf %parallel_loop3A_369, %get3A_10 : vector<16xf32>
        %parallel_loop3A_371 = arith.index_cast %rem3A_238 : i32 to index
        %parallel_loop3A_372 = arith.index_cast %parallel_loop3A_280 : i32 to index
        %parallel_loop3A_373 = arith.constant 112 : index
        %parallel_loop3A_374 = tpu.vector_load %arg8[%parallel_loop3A_371, %parallel_loop3A_372, %parallel_loop3A_373] {strides = array<i32>} : memref<7x128x128xf32, #tpu.memory_space<vmem>>, vector<1x1x16xf32>,
        %parallel_loop3A_375 = vector.shape_cast %parallel_loop3A_374 : vector<1x1x16xf32> to vector<16xf32>
        %parallel_loop3A_376 = vector.shape_cast %parallel_loop3A_370 : vector<16xf32> to vector<1x1x16xf32>
        tpu.vector_store %arg8[%parallel_loop3A_371, %parallel_loop3A_372, %parallel_loop3A_373], %parallel_loop3A_376 {strides = array<i32>} : memref<7x128x128xf32, #tpu.memory_space<vmem>>, vector<1x1x16xf32>,
      } {sc.loop_unroll_factor = 4 : i64, sc.parallel_access}
      %mul3A_254 = arith.constant 128 : i32
      %mul3A_255 = arith.muli %scan3A_236, %mul3A_254 : i32
      %add3A_256 = arith.addi %mul3A_2, %mul3A_255 : i32
      %dma_start3A_257 = arith.constant 0 : i32
      %dma_start3A_258 = arith.constant 0 : i32
      %dma_start3A_259 = tpu.memref_slice %arg8[%rem3A_238, %dma_start3A_257, %dma_start3A_258] : memref<7x128x128xf32, #tpu.memory_space<vmem>> -> memref<1x128x128xf32, #tpu.memory_space<vmem>>
      %dma_start3A_260 = tpu.memref_squeeze %dma_start3A_259 : memref<1x128x128xf32, #tpu.memory_space<vmem>> -> memref<128x128xf32, #tpu.memory_space<vmem>>
      %dma_start3A_261 = arith.constant 0 : i32
      %dma_start3A_262 = tpu.memref_slice %arg5[%add3A_256, %dma_start3A_261] : memref<32768x128xf32, #tpu.memory_space<hbm>> -> memref<128x128xf32, #tpu.memory_space<hbm>>
      %dma_start3A_263 = tpu.memref_slice %arg11[%rem3A_238] : memref<7x!tpu.dma_semaphore, #tpu.memory_space<semaphore_mem>> -> memref<1x!tpu.dma_semaphore, #tpu.memory_space<semaphore_mem>>
      %dma_start3A_264 = tpu.memref_squeeze %dma_start3A_263 : memref<1x!tpu.dma_semaphore, #tpu.memory_space<semaphore_mem>> -> memref<!tpu.dma_semaphore, #tpu.memory_space<semaphore_mem>>
      %dma_start3A_265 = arith.constant 0 : i32
      %dma_start3A_266 = tpu.memref_slice %arg5[%add3A_256, %dma_start3A_265] : memref<32768x128xf32, #tpu.memory_space<hbm>> -> memref<128x128xf32, #tpu.memory_space<hbm>>
      %dma_start3A_267 = arith.constant 0 : i32
      %dma_start3A_268 = arith.constant 0 : i32
      %dma_start3A_269 = tpu.memref_slice %arg8[%rem3A_238, %dma_start3A_267, %dma_start3A_268] : memref<7x128x128xf32, #tpu.memory_space<vmem>> -> memref<1x128x128xf32, #tpu.memory_space<vmem>>
      %dma_start3A_270 = tpu.memref_squeeze %dma_start3A_269 : memref<1x128x128xf32, #tpu.memory_space<vmem>> -> memref<128x128xf32, #tpu.memory_space<vmem>>
      tpu.enqueue_dma source(%dma_start3A_270 : memref<128x128xf32, #tpu.memory_space<vmem>>) target(%dma_start3A_266 : memref<128x128xf32, #tpu.memory_space<hbm>>) target_semaphore(%dma_start3A_264 : memref<!tpu.dma_semaphore, #tpu.memory_space<semaphore_mem>>)
      %add3A_271 = arith.constant 1 : i32
      %add3A_272 = arith.addi %scan3A_236, %add3A_271 : i32
      %add3A_273 = arith.constant 5 : i32
      %add3A_274 = arith.addi %add3A_272, %add3A_273 : i32
      %lt3A = arith.constant 8 : i32
      %lt3A_275 = arith.cmpi slt, %add3A_274, %lt3A : i32
      %convert_element_type3A_276 = arith.extui %lt3A_275 : i1 to i32
      %cond3A_277 = arith.constant 0 : i32
      %cond3A_278 = arith.cmpi ne, %convert_element_type3A_276, %cond3A_277 : i32
      scf.if %cond3A_278 {
        %rem3A_280 = arith.constant 7 : i32
        %rem3A_281 = arith.remsi %add3A_274, %rem3A_280 : i32
        %ge3A = arith.constant 7 : i32
        %ge3A_282 = arith.cmpi sge, %add3A_274, %ge3A : i32
        %convert_element_type3A_283 = arith.extui %ge3A_282 : i1 to i32
        %cond3A_284 = arith.constant 0 : i32
        %cond3A_285 = arith.cmpi ne, %convert_element_type3A_283, %cond3A_284 : i32
        scf.if %cond3A_285 {
          %sub3A = arith.constant 7 : i32
          %sub3A_298 = arith.subi %add3A_274, %sub3A : i32
          %mul3A_299 = arith.constant 128 : i32
          %mul3A_300 = arith.muli %sub3A_298, %mul3A_299 : i32
          %add3A_301 = arith.addi %mul3A_2, %mul3A_300 : i32
          %dma_wait3A_302 = arith.constant 0 : i32
          %dma_wait3A_303 = arith.constant 0 : i32
          %dma_wait3A_304 = tpu.memref_slice %arg8[%rem3A_281, %dma_wait3A_302, %dma_wait3A_303] : memref<7x128x128xf32, #tpu.memory_space<vmem>> -> memref<1x128x128xf32, #tpu.memory_space<vmem>>
          %dma_wait3A_305 = tpu.memref_squeeze %dma_wait3A_304 : memref<1x128x128xf32, #tpu.memory_space<vmem>> -> memref<128x128xf32, #tpu.memory_space<vmem>>
          %dma_wait3A_306 = arith.constant 0 : i32
          %dma_wait3A_307 = tpu.memref_slice %arg5[%add3A_301, %dma_wait3A_306] : memref<32768x128xf32, #tpu.memory_space<hbm>> -> memref<128x128xf32, #tpu.memory_space<hbm>>
          %dma_wait3A_308 = tpu.memref_slice %arg11[%rem3A_281] : memref<7x!tpu.dma_semaphore, #tpu.memory_space<semaphore_mem>> -> memref<1x!tpu.dma_semaphore, #tpu.memory_space<semaphore_mem>>
          %dma_wait3A_309 = tpu.memref_squeeze %dma_wait3A_308 : memref<1x!tpu.dma_semaphore, #tpu.memory_space<semaphore_mem>> -> memref<!tpu.dma_semaphore, #tpu.memory_space<semaphore_mem>>
          %dma_wait3A_310 = arith.constant 0 : i32
          %dma_wait3A_311 = tpu.memref_slice %arg5[%add3A_301, %dma_wait3A_310] : memref<32768x128xf32, #tpu.memory_space<hbm>> -> memref<128x128xf32, #tpu.memory_space<hbm>>
          %dma_wait3A_312 = arith.constant 0 : i32
          %dma_wait3A_313 = arith.constant 0 : i32
          %dma_wait3A_314 = tpu.memref_slice %arg8[%rem3A_281, %dma_wait3A_312, %dma_wait3A_313] : memref<7x128x128xf32, #tpu.memory_space<vmem>> -> memref<1x128x128xf32, #tpu.memory_space<vmem>>
          %dma_wait3A_315 = tpu.memref_squeeze %dma_wait3A_314 : memref<1x128x128xf32, #tpu.memory_space<vmem>> -> memref<128x128xf32, #tpu.memory_space<vmem>>
          tpu.wait_dma2 semaphore(%dma_wait3A_309 : memref<!tpu.dma_semaphore, #tpu.memory_space<semaphore_mem>>) src(%dma_wait3A_315 : memref<128x128xf32, #tpu.memory_space<vmem>>) dst(%dma_wait3A_311 : memref<128x128xf32, #tpu.memory_space<hbm>>)
        } else {
        }
        %dma_start3A_286 = arith.constant 0 : i32
        %dma_start3A_287 = arith.constant 0 : i32
        %dma_start3A_288 = tpu.memref_slice %arg8[%rem3A_281, %dma_start3A_286, %dma_start3A_287] : memref<7x128x128xf32, #tpu.memory_space<vmem>> -> memref<1x128x128xf32, #tpu.memory_space<vmem>>
        %dma_start3A_289 = tpu.memref_squeeze %dma_start3A_288 : memref<1x128x128xf32, #tpu.memory_space<vmem>> -> memref<128x128xf32, #tpu.memory_space<vmem>>
        %dma_start3A_290 = arith.constant 0 : i32
        %dma_start3A_291 = tpu.memref_slice %arg7[%add3A_274, %dma_start3A_290] : memref<8x128xi32, #tpu.memory_space<vmem>> -> memref<1x128xi32, #tpu.memory_space<vmem>>
        %dma_start3A_292 = tpu.memref_squeeze %dma_start3A_291 : memref<1x128xi32, #tpu.memory_space<vmem>> -> memref<128xi32, #tpu.memory_space<vmem>>
        %dma_start3A_293 = arith.constant 0 : i32
        %dma_start3A_294 = arith.constant 0 : i32
        %dma_start3A_295 = tpu.memref_slice %arg3[%dma_start3A_293, %dma_start3A_294] : memref<1000000x128xf32, #tpu.memory_space<hbm>> -> memref<1000000x128xf32, #tpu.memory_space<hbm>>
        %dma_start3A_296 = tpu.memref_slice %arg10[%rem3A_281] : memref<7x!tpu.dma_semaphore, #tpu.memory_space<semaphore_mem>> -> memref<1x!tpu.dma_semaphore, #tpu.memory_space<semaphore_mem>>
        %dma_start3A_297 = tpu.memref_squeeze %dma_start3A_296 : memref<1x!tpu.dma_semaphore, #tpu.memory_space<semaphore_mem>> -> memref<!tpu.dma_semaphore, #tpu.memory_space<semaphore_mem>>
        tpu.enqueue_indirect_dma source(%dma_start3A_295 : memref<1000000x128xf32, #tpu.memory_space<hbm>>) target(%dma_start3A_289 : memref<128x128xf32, #tpu.memory_space<vmem>>) offsets(%dma_start3A_292 : memref<128xi32, #tpu.memory_space<vmem>>) semaphore(%dma_start3A_297 : memref<!tpu.dma_semaphore, #tpu.memory_space<semaphore_mem>>)
      } else {
      }
      %scan3A_279 = arith.constant 0 : i32
      scf.yield %scan3A_279 : i32
    }
    %scan3A_110 = arith.constant 8 : i32
    %add3A_111 = arith.constant 128 : i32
    %add3A_112 = arith.addi %mul3A_2, %add3A_111 : i32
    %dma_wait3A = arith.constant 1 : i32
    %dma_wait3A_113 = arith.constant 1 : i32
    %dma_wait3A_114 = arith.constant 0 : i32
    %dma_wait3A_115 = arith.constant 0 : i32
    %dma_wait3A_116 = tpu.memref_slice %arg8[%dma_wait3A, %dma_wait3A_114, %dma_wait3A_115] : memref<7x128x128xf32, #tpu.memory_space<vmem>> -> memref<1x128x128xf32, #tpu.memory_space<vmem>>
    %dma_wait3A_117 = tpu.memref_squeeze %dma_wait3A_116 : memref<1x128x128xf32, #tpu.memory_space<vmem>> -> memref<128x128xf32, #tpu.memory_space<vmem>>
    %dma_wait3A_118 = arith.constant 0 : i32
    %dma_wait3A_119 = tpu.memref_slice %arg5[%add3A_112, %dma_wait3A_118] : memref<32768x128xf32, #tpu.memory_space<hbm>> -> memref<128x128xf32, #tpu.memory_space<hbm>>
    %dma_wait3A_120 = tpu.memref_slice %arg11[%dma_wait3A_113] : memref<7x!tpu.dma_semaphore, #tpu.memory_space<semaphore_mem>> -> memref<1x!tpu.dma_semaphore, #tpu.memory_space<semaphore_mem>>
    %dma_wait3A_121 = tpu.memref_squeeze %dma_wait3A_120 : memref<1x!tpu.dma_semaphore, #tpu.memory_space<semaphore_mem>> -> memref<!tpu.dma_semaphore, #tpu.memory_space<semaphore_mem>>
    %dma_wait3A_122 = arith.constant 0 : i32
    %dma_wait3A_123 = tpu.memref_slice %arg5[%add3A_112, %dma_wait3A_122] : memref<32768x128xf32, #tpu.memory_space<hbm>> -> memref<128x128xf32, #tpu.memory_space<hbm>>
    %dma_wait3A_124 = arith.constant 0 : i32
    %dma_wait3A_125 = arith.constant 0 : i32
    %dma_wait3A_126 = tpu.memref_slice %arg8[%dma_wait3A, %dma_wait3A_124, %dma_wait3A_125] : memref<7x128x128xf32, #tpu.memory_space<vmem>> -> memref<1x128x128xf32, #tpu.memory_space<vmem>>
    %dma_wait3A_127 = tpu.memref_squeeze %dma_wait3A_126 : memref<1x128x128xf32, #tpu.memory_space<vmem>> -> memref<128x128xf32, #tpu.memory_space<vmem>>
    tpu.wait_dma2 semaphore(%dma_wait3A_121 : memref<!tpu.dma_semaphore, #tpu.memory_space<semaphore_mem>>) src(%dma_wait3A_127 : memref<128x128xf32, #tpu.memory_space<vmem>>) dst(%dma_wait3A_123 : memref<128x128xf32, #tpu.memory_space<hbm>>)
    %add3A_128 = arith.constant 256 : i32
    %add3A_129 = arith.addi %mul3A_2, %add3A_128 : i32
    %dma_wait3A_130 = arith.constant 2 : i32
    %dma_wait3A_131 = arith.constant 2 : i32
    %dma_wait3A_132 = arith.constant 0 : i32
    %dma_wait3A_133 = arith.constant 0 : i32
    %dma_wait3A_134 = tpu.memref_slice %arg8[%dma_wait3A_130, %dma_wait3A_132, %dma_wait3A_133] : memref<7x128x128xf32, #tpu.memory_space<vmem>> -> memref<1x128x128xf32, #tpu.memory_space<vmem>>
    %dma_wait3A_135 = tpu.memref_squeeze %dma_wait3A_134 : memref<1x128x128xf32, #tpu.memory_space<vmem>> -> memref<128x128xf32, #tpu.memory_space<vmem>>
    %dma_wait3A_136 = arith.constant 0 : i32
    %dma_wait3A_137 = tpu.memref_slice %arg5[%add3A_129, %dma_wait3A_136] : memref<32768x128xf32, #tpu.memory_space<hbm>> -> memref<128x128xf32, #tpu.memory_space<hbm>>
    %dma_wait3A_138 = tpu.memref_slice %arg11[%dma_wait3A_131] : memref<7x!tpu.dma_semaphore, #tpu.memory_space<semaphore_mem>> -> memref<1x!tpu.dma_semaphore, #tpu.memory_space<semaphore_mem>>
    %dma_wait3A_139 = tpu.memref_squeeze %dma_wait3A_138 : memref<1x!tpu.dma_semaphore, #tpu.memory_space<semaphore_mem>> -> memref<!tpu.dma_semaphore, #tpu.memory_space<semaphore_mem>>
    %dma_wait3A_140 = arith.constant 0 : i32
    %dma_wait3A_141 = tpu.memref_slice %arg5[%add3A_129, %dma_wait3A_140] : memref<32768x128xf32, #tpu.memory_space<hbm>> -> memref<128x128xf32, #tpu.memory_space<hbm>>
    %dma_wait3A_142 = arith.constant 0 : i32
    %dma_wait3A_143 = arith.constant 0 : i32
    %dma_wait3A_144 = tpu.memref_slice %arg8[%dma_wait3A_130, %dma_wait3A_142, %dma_wait3A_143] : memref<7x128x128xf32, #tpu.memory_space<vmem>> -> memref<1x128x128xf32, #tpu.memory_space<vmem>>
    %dma_wait3A_145 = tpu.memref_squeeze %dma_wait3A_144 : memref<1x128x128xf32, #tpu.memory_space<vmem>> -> memref<128x128xf32, #tpu.memory_space<vmem>>
    tpu.wait_dma2 semaphore(%dma_wait3A_139 : memref<!tpu.dma_semaphore, #tpu.memory_space<semaphore_mem>>) src(%dma_wait3A_145 : memref<128x128xf32, #tpu.memory_space<vmem>>) dst(%dma_wait3A_141 : memref<128x128xf32, #tpu.memory_space<hbm>>)
    %add3A_146 = arith.constant 384 : i32
    %add3A_147 = arith.addi %mul3A_2, %add3A_146 : i32
    %dma_wait3A_148 = arith.constant 3 : i32
    %dma_wait3A_149 = arith.constant 3 : i32
    %dma_wait3A_150 = arith.constant 0 : i32
    %dma_wait3A_151 = arith.constant 0 : i32
    %dma_wait3A_152 = tpu.memref_slice %arg8[%dma_wait3A_148, %dma_wait3A_150, %dma_wait3A_151] : memref<7x128x128xf32, #tpu.memory_space<vmem>> -> memref<1x128x128xf32, #tpu.memory_space<vmem>>
    %dma_wait3A_153 = tpu.memref_squeeze %dma_wait3A_152 : memref<1x128x128xf32, #tpu.memory_space<vmem>> -> memref<128x128xf32, #tpu.memory_space<vmem>>
    %dma_wait3A_154 = arith.constant 0 : i32
    %dma_wait3A_155 = tpu.memref_slice %arg5[%add3A_147, %dma_wait3A_154] : memref<32768x128xf32, #tpu.memory_space<hbm>> -> memref<128x128xf32, #tpu.memory_space<hbm>>
    %dma_wait3A_156 = tpu.memref_slice %arg11[%dma_wait3A_149] : memref<7x!tpu.dma_semaphore, #tpu.memory_space<semaphore_mem>> -> memref<1x!tpu.dma_semaphore, #tpu.memory_space<semaphore_mem>>
    %dma_wait3A_157 = tpu.memref_squeeze %dma_wait3A_156 : memref<1x!tpu.dma_semaphore, #tpu.memory_space<semaphore_mem>> -> memref<!tpu.dma_semaphore, #tpu.memory_space<semaphore_mem>>
    %dma_wait3A_158 = arith.constant 0 : i32
    %dma_wait3A_159 = tpu.memref_slice %arg5[%add3A_147, %dma_wait3A_158] : memref<32768x128xf32, #tpu.memory_space<hbm>> -> memref<128x128xf32, #tpu.memory_space<hbm>>
    %dma_wait3A_160 = arith.constant 0 : i32
    %dma_wait3A_161 = arith.constant 0 : i32
    %dma_wait3A_162 = tpu.memref_slice %arg8[%dma_wait3A_148, %dma_wait3A_160, %dma_wait3A_161] : memref<7x128x128xf32, #tpu.memory_space<vmem>> -> memref<1x128x128xf32, #tpu.memory_space<vmem>>
    %dma_wait3A_163 = tpu.memref_squeeze %dma_wait3A_162 : memref<1x128x128xf32, #tpu.memory_space<vmem>> -> memref<128x128xf32, #tpu.memory_space<vmem>>
    tpu.wait_dma2 semaphore(%dma_wait3A_157 : memref<!tpu.dma_semaphore, #tpu.memory_space<semaphore_mem>>) src(%dma_wait3A_163 : memref<128x128xf32, #tpu.memory_space<vmem>>) dst(%dma_wait3A_159 : memref<128x128xf32, #tpu.memory_space<hbm>>)
    %add3A_164 = arith.constant 512 : i32
    %add3A_165 = arith.addi %mul3A_2, %add3A_164 : i32
    %dma_wait3A_166 = arith.constant 4 : i32
    %dma_wait3A_167 = arith.constant 4 : i32
    %dma_wait3A_168 = arith.constant 0 : i32
    %dma_wait3A_169 = arith.constant 0 : i32
    %dma_wait3A_170 = tpu.memref_slice %arg8[%dma_wait3A_166, %dma_wait3A_168, %dma_wait3A_169] : memref<7x128x128xf32, #tpu.memory_space<vmem>> -> memref<1x128x128xf32, #tpu.memory_space<vmem>>
    %dma_wait3A_171 = tpu.memref_squeeze %dma_wait3A_170 : memref<1x128x128xf32, #tpu.memory_space<vmem>> -> memref<128x128xf32, #tpu.memory_space<vmem>>
    %dma_wait3A_172 = arith.constant 0 : i32
    %dma_wait3A_173 = tpu.memref_slice %arg5[%add3A_165, %dma_wait3A_172] : memref<32768x128xf32, #tpu.memory_space<hbm>> -> memref<128x128xf32, #tpu.memory_space<hbm>>
    %dma_wait3A_174 = tpu.memref_slice %arg11[%dma_wait3A_167] : memref<7x!tpu.dma_semaphore, #tpu.memory_space<semaphore_mem>> -> memref<1x!tpu.dma_semaphore, #tpu.memory_space<semaphore_mem>>
    %dma_wait3A_175 = tpu.memref_squeeze %dma_wait3A_174 : memref<1x!tpu.dma_semaphore, #tpu.memory_space<semaphore_mem>> -> memref<!tpu.dma_semaphore, #tpu.memory_space<semaphore_mem>>
    %dma_wait3A_176 = arith.constant 0 : i32
    %dma_wait3A_177 = tpu.memref_slice %arg5[%add3A_165, %dma_wait3A_176] : memref<32768x128xf32, #tpu.memory_space<hbm>> -> memref<128x128xf32, #tpu.memory_space<hbm>>
    %dma_wait3A_178 = arith.constant 0 : i32
    %dma_wait3A_179 = arith.constant 0 : i32
    %dma_wait3A_180 = tpu.memref_slice %arg8[%dma_wait3A_166, %dma_wait3A_178, %dma_wait3A_179] : memref<7x128x128xf32, #tpu.memory_space<vmem>> -> memref<1x128x128xf32, #tpu.memory_space<vmem>>
    %dma_wait3A_181 = tpu.memref_squeeze %dma_wait3A_180 : memref<1x128x128xf32, #tpu.memory_space<vmem>> -> memref<128x128xf32, #tpu.memory_space<vmem>>
    tpu.wait_dma2 semaphore(%dma_wait3A_175 : memref<!tpu.dma_semaphore, #tpu.memory_space<semaphore_mem>>) src(%dma_wait3A_181 : memref<128x128xf32, #tpu.memory_space<vmem>>) dst(%dma_wait3A_177 : memref<128x128xf32, #tpu.memory_space<hbm>>)
    %add3A_182 = arith.constant 640 : i32
    %add3A_183 = arith.addi %mul3A_2, %add3A_182 : i32
    %dma_wait3A_184 = arith.constant 5 : i32
    %dma_wait3A_185 = arith.constant 5 : i32
    %dma_wait3A_186 = arith.constant 0 : i32
    %dma_wait3A_187 = arith.constant 0 : i32
    %dma_wait3A_188 = tpu.memref_slice %arg8[%dma_wait3A_184, %dma_wait3A_186, %dma_wait3A_187] : memref<7x128x128xf32, #tpu.memory_space<vmem>> -> memref<1x128x128xf32, #tpu.memory_space<vmem>>
    %dma_wait3A_189 = tpu.memref_squeeze %dma_wait3A_188 : memref<1x128x128xf32, #tpu.memory_space<vmem>> -> memref<128x128xf32, #tpu.memory_space<vmem>>
    %dma_wait3A_190 = arith.constant 0 : i32
    %dma_wait3A_191 = tpu.memref_slice %arg5[%add3A_183, %dma_wait3A_190] : memref<32768x128xf32, #tpu.memory_space<hbm>> -> memref<128x128xf32, #tpu.memory_space<hbm>>
    %dma_wait3A_192 = tpu.memref_slice %arg11[%dma_wait3A_185] : memref<7x!tpu.dma_semaphore, #tpu.memory_space<semaphore_mem>> -> memref<1x!tpu.dma_semaphore, #tpu.memory_space<semaphore_mem>>
    %dma_wait3A_193 = tpu.memref_squeeze %dma_wait3A_192 : memref<1x!tpu.dma_semaphore, #tpu.memory_space<semaphore_mem>> -> memref<!tpu.dma_semaphore, #tpu.memory_space<semaphore_mem>>
    %dma_wait3A_194 = arith.constant 0 : i32
    %dma_wait3A_195 = tpu.memref_slice %arg5[%add3A_183, %dma_wait3A_194] : memref<32768x128xf32, #tpu.memory_space<hbm>> -> memref<128x128xf32, #tpu.memory_space<hbm>>
    %dma_wait3A_196 = arith.constant 0 : i32
    %dma_wait3A_197 = arith.constant 0 : i32
    %dma_wait3A_198 = tpu.memref_slice %arg8[%dma_wait3A_184, %dma_wait3A_196, %dma_wait3A_197] : memref<7x128x128xf32, #tpu.memory_space<vmem>> -> memref<1x128x128xf32, #tpu.memory_space<vmem>>
    %dma_wait3A_199 = tpu.memref_squeeze %dma_wait3A_198 : memref<1x128x128xf32, #tpu.memory_space<vmem>> -> memref<128x128xf32, #tpu.memory_space<vmem>>
    tpu.wait_dma2 semaphore(%dma_wait3A_193 : memref<!tpu.dma_semaphore, #tpu.memory_space<semaphore_mem>>) src(%dma_wait3A_199 : memref<128x128xf32, #tpu.memory_space<vmem>>) dst(%dma_wait3A_195 : memref<128x128xf32, #tpu.memory_space<hbm>>)
    %add3A_200 = arith.constant 768 : i32
    %add3A_201 = arith.addi %mul3A_2, %add3A_200 : i32
    %dma_wait3A_202 = arith.constant 6 : i32
    %dma_wait3A_203 = arith.constant 6 : i32
    %dma_wait3A_204 = arith.constant 0 : i32
    %dma_wait3A_205 = arith.constant 0 : i32
    %dma_wait3A_206 = tpu.memref_slice %arg8[%dma_wait3A_202, %dma_wait3A_204, %dma_wait3A_205] : memref<7x128x128xf32, #tpu.memory_space<vmem>> -> memref<1x128x128xf32, #tpu.memory_space<vmem>>
    %dma_wait3A_207 = tpu.memref_squeeze %dma_wait3A_206 : memref<1x128x128xf32, #tpu.memory_space<vmem>> -> memref<128x128xf32, #tpu.memory_space<vmem>>
    %dma_wait3A_208 = arith.constant 0 : i32
    %dma_wait3A_209 = tpu.memref_slice %arg5[%add3A_201, %dma_wait3A_208] : memref<32768x128xf32, #tpu.memory_space<hbm>> -> memref<128x128xf32, #tpu.memory_space<hbm>>
    %dma_wait3A_210 = tpu.memref_slice %arg11[%dma_wait3A_203] : memref<7x!tpu.dma_semaphore, #tpu.memory_space<semaphore_mem>> -> memref<1x!tpu.dma_semaphore, #tpu.memory_space<semaphore_mem>>
    %dma_wait3A_211 = tpu.memref_squeeze %dma_wait3A_210 : memref<1x!tpu.dma_semaphore, #tpu.memory_space<semaphore_mem>> -> memref<!tpu.dma_semaphore, #tpu.memory_space<semaphore_mem>>
    %dma_wait3A_212 = arith.constant 0 : i32
    %dma_wait3A_213 = tpu.memref_slice %arg5[%add3A_201, %dma_wait3A_212] : memref<32768x128xf32, #tpu.memory_space<hbm>> -> memref<128x128xf32, #tpu.memory_space<hbm>>
    %dma_wait3A_214 = arith.constant 0 : i32
    %dma_wait3A_215 = arith.constant 0 : i32
    %dma_wait3A_216 = tpu.memref_slice %arg8[%dma_wait3A_202, %dma_wait3A_214, %dma_wait3A_215] : memref<7x128x128xf32, #tpu.memory_space<vmem>> -> memref<1x128x128xf32, #tpu.memory_space<vmem>>
    %dma_wait3A_217 = tpu.memref_squeeze %dma_wait3A_216 : memref<1x128x128xf32, #tpu.memory_space<vmem>> -> memref<128x128xf32, #tpu.memory_space<vmem>>
    tpu.wait_dma2 semaphore(%dma_wait3A_211 : memref<!tpu.dma_semaphore, #tpu.memory_space<semaphore_mem>>) src(%dma_wait3A_217 : memref<128x128xf32, #tpu.memory_space<vmem>>) dst(%dma_wait3A_213 : memref<128x128xf32, #tpu.memory_space<hbm>>)
    %add3A_218 = arith.constant 896 : i32
    %add3A_219 = arith.addi %mul3A_2, %add3A_218 : i32
    %dma_wait3A_220 = arith.constant 0 : i32
    %dma_wait3A_221 = arith.constant 0 : i32
    %dma_wait3A_222 = arith.constant 0 : i32
    %dma_wait3A_223 = arith.constant 0 : i32
    %dma_wait3A_224 = tpu.memref_slice %arg8[%dma_wait3A_220, %dma_wait3A_222, %dma_wait3A_223] : memref<7x128x128xf32, #tpu.memory_space<vmem>> -> memref<1x128x128xf32, #tpu.memory_space<vmem>>
    %dma_wait3A_225 = tpu.memref_squeeze %dma_wait3A_224 : memref<1x128x128xf32, #tpu.memory_space<vmem>> -> memref<128x128xf32, #tpu.memory_space<vmem>>
    %dma_wait3A_226 = arith.constant 0 : i32
    %dma_wait3A_227 = tpu.memref_slice %arg5[%add3A_219, %dma_wait3A_226] : memref<32768x128xf32, #tpu.memory_space<hbm>> -> memref<128x128xf32, #tpu.memory_space<hbm>>
    %dma_wait3A_228 = tpu.memref_slice %arg11[%dma_wait3A_221] : memref<7x!tpu.dma_semaphore, #tpu.memory_space<semaphore_mem>> -> memref<1x!tpu.dma_semaphore, #tpu.memory_space<semaphore_mem>>
    %dma_wait3A_229 = tpu.memref_squeeze %dma_wait3A_228 : memref<1x!tpu.dma_semaphore, #tpu.memory_space<semaphore_mem>> -> memref<!tpu.dma_semaphore, #tpu.memory_space<semaphore_mem>>
    %dma_wait3A_230 = arith.constant 0 : i32
    %dma_wait3A_231 = tpu.memref_slice %arg5[%add3A_219, %dma_wait3A_230] : memref<32768x128xf32, #tpu.memory_space<hbm>> -> memref<128x128xf32, #tpu.memory_space<hbm>>
    %dma_wait3A_232 = arith.constant 0 : i32
    %dma_wait3A_233 = arith.constant 0 : i32
    %dma_wait3A_234 = tpu.memref_slice %arg8[%dma_wait3A_220, %dma_wait3A_232, %dma_wait3A_233] : memref<7x128x128xf32, #tpu.memory_space<vmem>> -> memref<1x128x128xf32, #tpu.memory_space<vmem>>
    %dma_wait3A_235 = tpu.memref_squeeze %dma_wait3A_234 : memref<1x128x128xf32, #tpu.memory_space<vmem>> -> memref<128x128xf32, #tpu.memory_space<vmem>>
    tpu.wait_dma2 semaphore(%dma_wait3A_229 : memref<!tpu.dma_semaphore, #tpu.memory_space<semaphore_mem>>) src(%dma_wait3A_235 : memref<128x128xf32, #tpu.memory_space<vmem>>) dst(%dma_wait3A_231 : memref<128x128xf32, #tpu.memory_space<hbm>>)
    return
  }
}

</mosaic_0001>

<sc_bundles>
// kernel: _sc_embed.3.cloned.1.call-start
scs
__scs_entry_jumppad:
0x0: {  	(pc) =	sbr.rel $0x88, $3  }
0x1: {  	(tag) =	ssettag $0x0;
	lr =	simm.s32 $0x1  }
0x2: {  	[smem:$0x3F9E] =	sst lr;
	_ =	strace $0xD0000000  }
0x3: {  	_ = 	snop  }
0x4: {  	_ = 	snop  }
0x5: {  	_ = 	snop  }
0x6: {  	_ = 	snop  }
0x7: {  	_ = 	snop  }
__scs_overlays_trampoline_lowered:
0x8: {  	[smem:$0x3FAD] =	sst s0  }
0x9: {  	[smem:$0x3FAE] =	sst s1  }
0xa: {  	[smem:$0x3FAF] =	sst s2  }
0xb: {  	[smem:$0x3FB0] =	sst s3  }
0xc: {  	[smem:$0x3FB1] =	sst s4  }
0xd: {  	[smem:$0x3FB2] =	sst s5  }
0xe: {  	[smem:$0x3FB3] =	sst s6  }
0xf: {  	[smem:$0x3FB4] =	sst s7  }
0x10: {  	[smem:$0x3FB5] =	sst s8  }
0x11: {  	[smem:$0x3FB6] =	sst s9;
	s0 =	simm.s32 @!p0 $0x0  }
0x12: {  	s1 =	sld [smem:$0x3F9C];
	s0 =	simm.s32 @p0 $0x1  }
0x13: {  	[smem:$0x3FB7] =	sst s0;
	s0 =	simm.s32 @!p1 $0x0  }
0x14: {  	s2 =	sld [smem:$0x3F9B];
	s0 =	simm.s32 @p1 $0x1  }
0x15: {  	[smem:$0x3FB8] =	sst s0;
	s0 =	simm.s32 @!p2 $0x0  }
0x16: {  	s3 =	sld [smem:$0x3FDB];
	s0 =	simm.s32 @p2 $0x1  }
0x17: {  	s4 =	simm.s32 $0x1BF5;
	[smem:$0x3FBA] =	sst s0  }
0x18: {  	s0 =	sld [smem:$0x3F9D];
	_ =	swait.ge [sflag:s4], $0x0  }
0x19: {  	s7 =	sld [smem:$0x3F9E]  }
0x1a: {  	s8 =	sadd.s32 $0xFFFFE003, lr  }
0x1b: {  	s9 =	sadd.s32 $0xFFFFFEF7, lr;
	s5 =	simm.s32 $0xFFFFFFFF;
	p2 =	slt.u32 s8, $0xFFFFF086  }
0x1c: {  	p1 =	slt.u32 s9, $0xF7A;
	s5 =	simm.s32 @!p2 $0x0  }
0x1d: {  	s5 =	simm.s32 @p1 $0x1;
	p0 =	seq.s32 s7, s2  }
0x1e: {  	s7 =	smul.u32 @!p0 $0xF7A, s2;
	p2 =	seq.s32 @!p0 s5, $0x0  }
0x1f: {  	s9 =	smul.u32 $0xF7A, s1;
	s8 =	simm.s32 @!p0 $0x1BF5;
	p2 =	por !p2, p0  }
0x20: {  	[sflag:s8] =	ssyncset.s32 @!p0 $0xFFFFF086;
	s6 =	sadd.s32 @!p0 s3, s7;
	s7 =	simm.s32 @!p0 $0x108  }
0x21: {  	s3 =	sadd.s32 s3, s9;
	s6 =	sadd.s32 @!p0 $0x88, s6;
	s7 =	simm.s32 @p2 $0x1082  }
0x22: {  	[simem:s7], [sflag:s8] =	dma.local @!p0 [hbm:s6], $0xF7A  }
0x23: {  	s9 =	sor.u32 $0xD0000000, s2;
	s6 =	simm.s32 $0x108;
	_ =	swait.ge @!p0 [sflag:s8], $0x0  }
0x24: {  	s3 =	sadd.s32 $0x88, s3;
	s6 =	simm.s32 @!p1 $0x1082;
	[sflag:s4] =	ssyncset.s32 $0xFFFFF086  }
0x25: {  	[simem:s6], [sflag:s4] =	dma.local [hbm:s3], $0xF7A  }
0x26: {  	[smem:$0x3F9E] =	sst s1;
	(tag) =	ssettag s2;
	_ =	strace s9  }
0x27: {  	s1 =	sld [smem:$0x3FAE]  }
0x28: {  	s2 =	sld [smem:$0x3FAF]  }
0x29: {  	s4 =	sld [smem:$0x3FB1]  }
0x2a: {  	p0 =	seq.s32 s5, $0x0;
	s5 =	sld [smem:$0x3FB2]  }
0x2b: {  	s6 =	sld [smem:$0x3FB3]  }
0x2c: {  	s7 =	sld [smem:$0x3FB4]  }
0x2d: {  	s3 =	simm.s32 $0x108;
	s8 =	sld [smem:$0x3FB5]  }
0x2e: {  	s3 =	simm.s32 @!p0 $0x1082;
	s9 =	sld [smem:$0x3FB6]  }
0x2f: {  	lr =	sadd.s32 s0, s3;
	s0 =	sld [smem:$0x3FAD]  }
0x30: {  	s3 =	sld [smem:$0x3FB0]  }
0x31: {  	[smem:$0x3FB9] =	sst s10  }
0x32: {  	s10 =	sld [smem:$0x3FB7];
	_ =	sdelay $0x3  }
0x33: {  	p0 =	seq.s32 s10, $0x1;
	s10 =	sld [smem:$0x3FB9];
	_ =	sdelay $0x3  }
0x34: {  	[smem:$0x3FB9] =	sst s10  }
0x35: {  	s10 =	sld [smem:$0x3FB8];
	_ =	sdelay $0x3  }
0x36: {  	p1 =	seq.s32 s10, $0x1;
	s10 =	sld [smem:$0x3FB9];
	_ =	sdelay $0x3  }
0x37: {  	[smem:$0x3FB9] =	sst s10  }
0x38: {  	s10 =	sld [smem:$0x3FBA]  }
0x39: {  	_ = 	snop;
	(pc) =	sbr.ind lr, $3  }
0x3a: {  	_ = 	snop  }
0x3b: {  	_ = 	snop  }
0x3c: {  	p2 =	seq.s32 s10, $0x1;
	s10 =	sld [smem:$0x3FB9]  }
0x3d: {  	_ =	shalt  }
0x3e: {  	_ =	shalt  }
0x3f: {  	_ =	shalt  }
0x40: {  	_ =	shalt  }
0x41: {  	_ =	shalt  }
0x42: {  	_ =	shalt  }
0x43: {  	_ =	shalt  }
0x44: {  	_ =	shalt  }
0x45: {  	_ =	shalt  }
0x46: {  	_ =	shalt  }
0x47: {  	_ =	shalt  }
0x48: {  	_ =	shalt  }
0x49: {  	_ =	shalt  }
0x4a: {  	_ =	shalt  }
0x4b: {  	_ =	shalt  }
0x4c: {  	_ =	shalt  }
0x4d: {  	_ =	shalt  }
0x4e: {  	_ =	shalt  }
0x4f: {  	_ =	shalt  }
0x50: {  	_ =	shalt  }
0x51: {  	_ =	shalt  }
0x52: {  	_ =	shalt  }
0x53: {  	_ =	shalt  }
0x54: {  	_ =	shalt  }
0x55: {  	_ =	shalt  }
0x56: {  	_ =	shalt  }
0x57: {  	_ =	shalt  }
0x58: {  	_ =	shalt  }
0x59: {  	_ =	shalt  }
0x5a: {  	_ =	shalt  }
0x5b: {  	_ =	shalt  }
0x5c: {  	_ =	shalt  }
0x5d: {  	_ =	shalt  }
0x5e: {  	_ =	shalt  }
0x5f: {  	_ =	shalt  }
0x60: {  	_ =	shalt  }
0x61: {  	_ =	shalt  }
0x62: {  	_ =	shalt  }
0x63: {  	_ =	shalt  }
0x64: {  	_ =	shalt  }
0x65: {  	_ =	shalt  }
0x66: {  	_ =	shalt  }
0x67: {  	_ =	shalt  }
0x68: {  	_ =	shalt  }
0x69: {  	_ =	shalt  }
0x6a: {  	_ =	shalt  }
0x6b: {  	_ =	shalt  }
0x6c: {  	_ =	shalt  }
0x6d: {  	_ =	shalt  }
0x6e: {  	_ =	shalt  }
0x6f: {  	_ =	shalt  }
0x70: {  	_ =	shalt  }
0x71: {  	_ =	shalt  }
0x72: {  	_ =	shalt  }
0x73: {  	_ =	shalt  }
0x74: {  	_ =	shalt  }
0x75: {  	_ =	shalt  }
0x76: {  	_ =	shalt  }
0x77: {  	_ =	shalt  }
0x78: {  	_ =	shalt  }
0x79: {  	_ =	shalt  }
0x7a: {  	_ =	shalt  }
0x7b: {  	_ =	shalt  }
0x7c: {  	_ =	shalt  }
0x7d: {  	_ =	shalt  }
0x7e: {  	_ =	shalt  }
0x7f: {  	_ =	shalt  }
0x80: {  	_ =	shalt  }
0x81: {  	_ =	shalt  }
0x82: {  	_ =	shalt  }
0x83: {  	_ =	shalt  }
0x84: {  	_ =	shalt  }
0x85: {  	_ =	shalt  }
0x86: {  	_ =	shalt  }
0x87: {  	_ =	shalt  }
.Lfunc_end0:
.L_simem_size_0:
called_computation_lowered:
.L_overlay_start_0:
0x88: {  	s2 =	sld [smem:$0x3FD9]  }
0x89: {  	s3 =	sld [smem:$0x3FFE];
	_ =	sdelay $0x1  }
0x8a: {  	s1 =	srdreg.scid  }
0x8b: {  	s0 =	sand.u32 $0x1, s1  }
0x8c: {  	s18 =	sshll.u32 s0, $0xA;
	s2 =	sadd.s32 s3, s2  }
0x8d: {  	s2 =	sadd.s32 s2, s18  }
0x8e: {  	[smem:$0x3FC5] =	sst s2  }
0x8f: {  	_ = 	snop  }
0x90: {  	s2 =	sld [smem:$0x3FC9]  }
0x91: {  	s19 =	sld [smem:$0x3FC8]  }
0x92: {  	s4 =	sld [smem:$0x3FC7]  }
0x93: {  	s5 =	sld [smem:$0x3FD0];
	(tm) =	ssettm $0x1  }
0x94: {  	s6 =	sld [smem:$0x3FFB];
	_ =	sdelay $0x3  }
0x95: {  	_ =	strace s6  }
0x96: {  	s6 =	sld [smem:$0x3FFC];
	_ =	sdelay $0x3  }
0x97: {  	_ =	strace s6  }
0x98: {  	s6 =	sld [smem:$0x3FFD];
	_ =	sdelay $0x3  }
0x99: {  	_ =	strace s6  }
0x9a: {  	_ =	strace $0x8FFFFFFF  }
0x9b: {  	s20 =	sld [smem:$0x3FDB];
	_ =	sdelay $0x1  }
0x9c: {  	s7 =	simm.s32 $_scs_section_size  }
0x9d: {  	s8 =	simm.s32 $_size__tile_overlayer_lowered;
	s9 =	simm.s32 $_tile_overlayer_lowered  }
0x9e: {  	s23 =	simm.s32 $0x1BFF;
	s22 =	sshll.u32 s9, $0x1;
	s6 =	sadd.s32 s7, s20  }
0x9f: {  	s10 =	simm.s32 $0x0;
	s21 =	sshll.u32 s8, $0x1;
	s8 =	sadd.s32 s22, s6  }
0xa0: {  	[timem:s10], [sflag:s23] =	dma.local [hbm:s8], s21  }
0xa1: {  	_ =	swait.ge [sflag:s23], s21  }
0xa2: {  	s7 =	ssub.s32 $0x0, s21;
	[sflag:s23] =	ssyncset.done $0x0  }
0xa3: {  	[sflag:s23] =	ssyncadd.s32 s7;
	_ =	sdelay $0x1  }
0xa4: {  	s24 =	simm.s32 $0x1B8B  }
0xa5: {  	_ =	swait.ge [sflag:s24], $0x1  }
0xa6: {  	[sflag:s24] =	ssyncset.done $0x0  }
0xa7: {  	s25 =	simm.s32 $0x1B8E;
	[sflag:s24] =	ssyncadd.s32 $0xFFFFFFFF  }
0xa8: {  	s26 =	simm.s32 $execute0_lowered;
	[smem:$0x3FD2] =	sst s25  }
0xa9: {  	s7 =	sshll.u32 s26, $0x1;
	_ =	strace $0x80000046;
	[dreg:$0x1] =	wrdreg $0xFFFFFFFF  }
0xaa: {  	s28 =	simm.s32 $_size_execute0_lowered;
	s6 =	sadd.s32 s6, s7;
	[dreg:$0x0] =	wrdreg $0x0  }
0xab: {  	s7 =	sshll.u32 s28, $0x1;
	[dreg:$0x2] =	wrdreg s6  }
0xac: {  	[dreg:$0x3] =	wrdreg s7  }
0xad: {  	[dreg:$0x4] =	wrdreg $0xC0  }
0xae: {  	_ =	task [dreg:s10], $0x5FFFF  }
0xaf: {  	[dreg:$0x1] =	wrdreg $0xFFFFFFFF  }
0xb0: {  	[dreg:$0x0] =	wrdreg $0x60  }
0xb1: {  	[dreg:$0x2] =	wrdreg s2  }
0xb2: {  	[dreg:$0x3] =	wrdreg s19  }
0xb3: {  	[dreg:$0x4] =	wrdreg s4  }
0xb4: {  	[dreg:$0x5] =	wrdreg s5  }
0xb5: {  	[dreg:$0x6] =	wrdreg $0x9  }
0xb6: {  	_ =	task.clear_ibuf [dreg:s10], $0x7FFFF;
	_ =	strace $0x90000046  }
0xb7: {  	s29 =	simm.s32 $0x9;
	_ =	strace $0x80000048  }
0xb8: {  	_ =	swait.ge [sflag:s29], $0x1  }
0xb9: {  	[sflag:s29] =	ssyncadd.s32 $0xFFFFFFFF  }
0xba: {  	_ =	strace $0x90000048  }
0xbb: {  	_ =	sfence  }
0xbc: {  	s30 =	sld [smem:$0x0];
	_ =	sdelay $0x2  }
0xbd: {  	s31 =	sshll.u32 s1, $0xD;
	s1 =	sshrl.u32 s1, $0x2  }
0xbe: {  	s3 =	sand.u32 $0x4000, s31;
	s1 =	sadd.s32 s1, s30  }
0xbf: {  	s0 =	sor.u32 s3, s0;
	s1 =	sshll.u32 s1, $0x11  }
0xc0: {  	s0 =	sor.u32 s1, s0  }
0xc1: {  	s0 =	sadd.s32 $0x8F2B, s0  }
0xc2: {  	[sflag:s0] =	ssyncadd.remote.s32 $0x1  }
0xc3: {  	_ =	sfence.sel $0xFFFF  }
0xc4: {  	[dreg:$0x0] =	wrdreg $0xFFFFFFFF;
	(pc) =	sbr.abs _section_cstart, $3  }
0xc5: {  	[dreg:$0x1] =	wrdreg $0xFFFFFFFF  }
0xc6: {  	_ =	task.clear_ibuf [dreg:s10], $0x2FFFF;
	_ =	strace $0x9FFFFFFF  }
0xc7: {  	(tm) =	ssettm $0x7FFFFFFF  }
tec
execute0_lowered:
.L_overlay_start_1:
0x0: {  	(tag) =	ssettag $0x1  }
0x1: {  	s7 =	rddreg [dreg:$0x0]  }
0x2: {  	s0 =	srdreg.scid;
	s6 =	stileid.u32  }
0x3: {  	s2 =	rddreg [dreg:$0x3];
	s8 =	simm.s32 $0x0;
	s0 =	sand.u32 $0x1, s0  }
0x4: {  	s1 =	sshll.u32 s6, $0x1;
	[smem:$0x7FF] =	sst s8;
	s29 =	sshll.u32 s6, $0xB  }
0x5: {  	v0 =	vimm.s32 $0xECA86420;
	vm0 =	vcmask $0xB08;
	s1 =	sor.u32 s0, s1;
	s4 =	ssub.s32 $0x2, s0;
	_ =	strace $0x80000047  }
0x6: {  	vm1 =	vcmask $0x1310;
	vm2 =	vcmask $0x1B18;
	vm4 =	vcmask $0x300;
	s0 =	sshll.u32 s0, $0xA;
	s3 =	sshll.u32 s1, $0xA;
	s5 =	sshrl.u32 s4, $0x1  }
0x7: {  	vm5 =	vcmask $0x2320;
	vm6 =	vcmask $0x2B28;
	vm7 =	vcmask $0x3330;
	s28 =	sshll.u32 s1, $0xE;
	s22 =	sor.u32 s0, s29;
	s3 =	sadd.s32 $0xFFFFFFF8, s3  }
0x8: {  	vm11 =	vcmask $0x3B38;
	v1 =	vlaneseq.u32;
	vm8 =	vmmov $0xff;
	s4 =	ssub.s32 s4, s5;
	s30 =	sadd.s32 s2, s28;
	[dreg:$0x5] =	wrdreg s22  }
0x9: {  	vm10 =	vcmask $0x704;
	vm9 =	vcmask $0xF0C;
	v0 =	vunpack.c.l.s4.s8 v0;
	s3 =	sshrl.u32 s3, $0x3;
	s31 =	smax.u32 s4, $0x1;
	[smem:$0x7FD] =	sst s30  }
0xa: {  	vm13 =	vcmask $0x1F1C;
	vm14 =	vcmask $0x2724;
	vm15 =	vcmask $0x2F2C;
	s3 =	sadd.s32 s7, s3;
	[smem:$0x7FC] =	sst s31  }
0xb: {  	vm12 =	vcmask $0x3734;
	v2 =	vmul.u32 $0x2, v1;
	p0 =	sne.s32 s1, $0x0;
	v0 =	vunpack.c.0.s8.s32 v0;
	s2 =	simm.s32 $0x0;
	[smem:$0x7FB] =	sst s3  }
.LBB2_1:
0xc: {  	s1 =	sld [smem:$0x7FB];
	_ =	sdelay $0x1  }
0xd: {  	s0 =	simm.s32 @p0 $0x0  }
0xe: {  	[tilespmem:s0], [sflag:$0xF] =	stream.linear.gather @p0 [hbm4b:s1+s0], $0x410, $0x38;
	[tilespmem:$0x1C900] =	vst v63  }
0xf: {  	[smem:$0x7C7] =	sst s2;
	s0 =	simm.s32 @p0 $0xF  }
0x10: {  	_ =	swait.ge @p0 [sflag:s0], $0x410  }
0x11: {  	[sflag:s0] =	ssyncset.done @p0 $0x0  }
0x12: {  	[sflag:s0] =	ssyncadd.s32 @p0 $0xFFFFFBF0  }
0x13: {  	s1 =	simm.s32 @!p0 $0x8;
	s0 =	simm.s32 @!p0 $0x0;
	s2 =	rddreg [dreg:$0x0]  }
0x14: {  	[tilespmem:s1], [sflag:$0xF] =	stream.linear.gather @!p0 [hbm4b:s2+s0], $0x408, $0x38;
	[tilespmem:$0x1C900] =	vst v63  }
0x15: {  	s0 =	simm.s32 @!p0 $0xF  }
0x16: {  	_ =	swait.ge @!p0 [sflag:s0], $0x408  }
0x17: {  	[sflag:s0] =	ssyncset.done @!p0 $0x0  }
0x18: {  	[sflag:s0] =	ssyncadd.s32 @!p0 $0xFFFFFBF8  }
0x19: {  	s13 =	simm.s32 $0x1C880;
	s14 =	simm.s32 $0xF;
	s0 =	rddreg [dreg:$0x2]  }
0x1a: {  	[tilespmem:s13], [sflag:$0xF] =	stream.linear.gather [hbm4b:s0+s8], $0x80, $0x38;
	[tilespmem:$0x1C900] =	vst v63  }
0x1b: {  	_ =	swait.ge [sflag:s14], $0x80  }
0x1c: {  	[sflag:s14] =	ssyncset.done $0x0  }
0x1d: {  	s15 =	simm.s32 $0x17;
	[sflag:s14] =	ssyncadd.s32 $0xFFFFFF80  }
0x1e: {  	v3 =	vld [tilespmem:s15+$0xFFFFFFF0]  }
0x1f: {  	v4 =	vld [tilespmem:s15+$0xFFFFFFF1];
	_ =	sdelay $0x4  }
0x20: {  	v4 =	vmul.u32 $0x8DD9, v4;
	v3 =	vmul.u32 $0x6A37, v3;
	_ =	sdelay $0x1  }
0x21: {  	v5 =	vxor.u32 v3, v4  }
0x22: {  	(v2sf) =	vpush v5, $0xF  }
0x23: {  	(v2sf) =	vpush v5, $0xB;
	_ =	sdelay $0x1  }
0x24: {  	(v2sf) =	vpush v5, $0x6  }
0x25: {  	(v2sf) =	vpush v5, $0xE;
	_ =	sdelay $0x1  }
0x26: {  	(v2sf) =	vpush v5, $0xA;
	_ =	sdelay $0x2  }
0x27: {  	(v2sf) =	vpush v5, $0xD;
	_ =	sdelay $0x1  }
0x28: {  	(v2sf) =	vpush v5, $0x9;
	_ =	sdelay $0x1  }
0x29: {  	(v2sf) =	vpush v5, $0x5;
	_ =	sdelay $0x1  }
0x2a: {  	(v2sf) =	vpush v5, $0xC;
	s16 =	spop (v2sf)  }
0x2b: {  	s29 =	smulhi.u32 $0x431BE2E9, s16;
	s17 =	spop (v2sf)  }
0x2c: {  	(v2sf) =	vpush v5, $0x8;
	s1 =	sshra.s32 s16, $0x1F;
	s23 =	smulhi.u32 $0x431BE2E9, s17  }
0x2d: {  	(v2sf) =	vpush v5, $0x4;
	s3 =	spop (v2sf);
	s6 =	smul.u32 $0x431BE2E9, s1  }
0x2e: {  	(v2sf) =	vpush v5, $0x3;
	s4 =	smulhi.u32 $0x431BE2E9, s3;
	s5 =	spop (v2sf)  }
0x2f: {  	s3 =	sshra.s32 s3, $0x1F;
	s28 =	smulhi.u32 $0x431BE2E9, s5  }
0x30: {  	s7 =	spop (v2sf);
	s1 =	smul.u32 $0x431BE2E9, s3  }
0x31: {  	(v2sf) =	vpush v5, $0x2;
	s2 =	sshra.s32 s17, $0x1F;
	[smem:$0x7CE] =	sst s4;
	s30 =	smulhi.u32 $0x431BE2E9, s7  }
0x32: {  	s5 =	sshra.s32 s5, $0x1F;
	s4 =	smul.u32 $0x431BE2E9, s2;
	v3 =	vld [tilespmem:s15+$0x0]  }
0x33: {  	s18 =	spop (v2sf);
	s3 =	smul.u32 $0x431BE2E9, s5;
	v4 =	vld [tilespmem:s15+$0x1]  }
0x34: {  	(v2sf) =	vpush v5, $0x1;
	s7 =	sshra.s32 s7, $0x1F;
	s9 =	smulhi.u32 $0x431BE2E9, s18  }
0x35: {  	(v2sf) =	vpush v5, $0x0;
	s10 =	spop (v2sf);
	s5 =	smul.u32 $0x431BE2E9, s7  }
0x36: {  	s8 =	sshra.s32 s18, $0x1F;
	s21 =	smulhi.u32 $0x431BE2E9, s10  }
0x37: {  	s11 =	spop (v2sf);
	s2 =	smul.u32 $0x431BE2E9, s8  }
0x38: {  	s10 =	sshra.s32 s10, $0x1F;
	s20 =	smulhi.u32 $0x431BE2E9, s11;
	v3 =	vmul.u32 $0x6A37, v3;
	v4 =	vmul.u32 $0x8DD9, v4  }
0x39: {  	(v2sf) =	vpush v5, $0x7;
	s22 =	spop (v2sf);
	s17 =	smul.u32 $0x431BE2E9, s10  }
0x3a: {  	[smem:$0x7CF] =	sst s1;
	s11 =	sshra.s32 s11, $0x1F;
	s31 =	smulhi.u32 $0x431BE2E9, s22;
	v3 =	vxor.u32 v3, v4  }
0x3b: {  	s12 =	spop (v2sf);
	s1 =	smul.u32 $0x431BE2E9, s11;
	(v2sf) =	vpush v3, $0x7  }
0x3c: {  	s24 =	smulhi.u32 $0x431BE2E9, s12;
	s13 =	spop (v2sf)  }
0x3d: {  	s0 =	sshra.s32 s22, $0x1F;
	s25 =	smulhi.u32 $0x431BE2E9, s13;
	s14 =	spop (v2sf);
	(v2sf) =	vpush v3, $0x0  }
0x3e: {  	[smem:$0x7C8] =	sst s1;
	s1 =	smul.u32 $0x431BE2E9, s0;
	(v2sf) =	vpush v3, $0x1  }
0x3f: {  	s18 =	sshra.s32 s13, $0x1F;
	s26 =	smulhi.u32 $0x431BE2E9, s14  }
0x40: {  	s15 =	spop (v2sf);
	s22 =	sshra.s32 s14, $0x1F;
	s14 =	smul.u32 $0x431BE2E9, s18;
	(v2sf) =	vpush v3, $0x2  }
0x41: {  	s19 =	smulhi.u32 $0x431BE2E9, s15  }
0x42: {  	s13 =	smul.u32 $0x431BE2E9, s22;
	[smem:$0x7CD] =	sst s26;
	s26 =	sshra.s32 s15, $0x1F  }
0x43: {  	s15 =	smul.u32 $0x431BE2E9, s26;
	s8 =	spop (v2sf)  }
0x44: {  	(v2sf) =	vpush v3, $0x3;
	s10 =	smulhi.u32 $0x431BE2E9, s8;
	s11 =	spop (v2sf)  }
0x45: {  	s16 =	sshra.s32 s12, $0x1F;
	s0 =	sshra.s32 s8, $0x1F;
	s12 =	smulhi.u32 $0x431BE2E9, s11  }
0x46: {  	s7 =	sshra.s32 s11, $0x1F;
	s0 =	smul.u32 $0x431BE2E9, s0  }
0x47: {  	[smem:$0x7CB] =	sst s10;
	s18 =	smul.u32 $0x431BE2E9, s7  }
0x48: {  	s22 =	spop (v2sf);
	[smem:$0x7CC] =	sst s0  }
0x49: {  	(v2sf) =	vpush v3, $0x4;
	s0 =	sshra.s32 s22, $0x1F;
	[smem:$0x7CA] =	sst s18;
	s18 =	smulhi.u32 $0x431BE2E9, s22  }
0x4a: {  	(v2sf) =	vpush v3, $0xC;
	s8 =	smul.u32 $0x431BE2E9, s0;
	s26 =	spop (v2sf)  }
0x4b: {  	[smem:$0x7C9] =	sst s12;
	s11 =	sshra.s32 s26, $0x1F;
	s26 =	smulhi.u32 $0x431BE2E9, s26  }
0x4c: {  	(v2sf) =	vpush v3, $0x8;
	s22 =	spop (v2sf);
	s12 =	smul.u32 $0x431BE2E9, s11  }
0x4d: {  	s0 =	sshra.s32 s22, $0x1F;
	s11 =	spop (v2sf);
	[smem:$0x7D1] =	sst s26  }
0x4e: {  	s7 =	smul.u32 $0x431BE2E9, s0;
	[smem:$0x7D0] =	sst s12;
	s12 =	sshra.s32 s11, $0x1F  }
0x4f: {  	s10 =	spop (v2sf);
	s26 =	smul.u32 $0x431BE2E9, s12  }
0x50: {  	(v2sf) =	vpush v3, $0xD;
	s0 =	sshra.s32 s10, $0x1F;
	s10 =	smulhi.u32 $0x431BE2E9, s10  }
0x51: {  	[smem:$0x7D3] =	sst s26;
	s26 =	smulhi.u32 $0x431BE2E9, s11  }
0x52: {  	s11 =	smul.u32 $0x431BE2E9, s0  }
0x53: {  	[smem:$0x7D2] =	sst s7;
	s7 =	spop (v2sf)  }
0x54: {  	(v2sf) =	vpush v3, $0x9;
	[smem:$0x7D4] =	sst s11;
	s11 =	sshra.s32 s7, $0x1F  }
0x55: {  	[smem:$0x7D5] =	sst s10;
	s10 =	smul.u32 $0x431BE2E9, s11  }
0x56: {  	s12 =	simm.s32 $0x37  }
0x57: {  	v4 =	vld [tilespmem:s12+$0xFFFFFFF0];
	[smem:$0x7D6] =	sst s10  }
0x58: {  	s10 =	spop (v2sf);
	v6 =	vld [tilespmem:s12+$0xFFFFFFF1];
	s12 =	smulhi.u32 $0x431BE2E9, s7  }
0x59: {  	(v2sf) =	vpush v3, $0x5;
	s7 =	spop (v2sf)  }
0x5a: {  	(v2sf) =	vpush v3, $0xE;
	s0 =	sshra.s32 s10, $0x1F;
	[smem:$0x7D7] =	sst s12;
	s12 =	smulhi.u32 $0x431BE2E9, s10  }
0x5b: {  	s11 =	smul.u32 $0x431BE2E9, s0;
	s0 =	sshra.s32 s7, $0x1F;
	s10 =	spop (v2sf)  }
0x5c: {  	[smem:$0x7D9] =	sst s12;
	s12 =	smul.u32 $0x431BE2E9, s0  }
0x5d: {  	[smem:$0x7D8] =	sst s11;
	s0 =	sshra.s32 s10, $0x1F  }
0x5e: {  	(v2sf) =	vpush v3, $0xA;
	[smem:$0x7DA] =	sst s12;
	s12 =	smul.u32 $0x431BE2E9, s0  }
0x5f: {  	s11 =	smulhi.u32 $0x431BE2E9, s7;
	s7 =	spop (v2sf)  }
0x60: {  	[smem:$0x7DC] =	sst s12;
	s12 =	smulhi.u32 $0x431BE2E9, s10  }
0x61: {  	s0 =	sshra.s32 s7, $0x1F  }
0x62: {  	s6 =	sadd.s32 s6, s29;
	[smem:$0x7DD] =	sst s12;
	s12 =	smul.u32 $0x431BE2E9, s0  }
0x63: {  	[smem:$0x7E7] =	sst s6;
	s10 =	spop (v2sf)  }
0x64: {  	(v2sf) =	vpush v3, $0xF;
	[smem:$0x7DE] =	sst s12;
	s12 =	sshra.s32 s10, $0x1F  }
0x65: {  	[smem:$0x7DB] =	sst s11;
	s6 =	smul.u32 $0x431BE2E9, s12;
	s12 =	sadd.s32 s4, s23  }
0x66: {  	(v2sf) =	vpush v3, $0xB;
	s4 =	sadd.s32 s3, s28;
	s3 =	sadd.s32 s17, s21;
	s17 =	sld [smem:$0x7C9]  }
0x67: {  	s23 =	sadd.s32 s2, s9;
	[smem:$0x7E8] =	sst s12  }
0x68: {  	s11 =	spop (v2sf);
	[smem:$0x7E3] =	sst s23  }
0x69: {  	s9 =	spop (v2sf);
	[smem:$0x7E5] =	sst s4  }
0x6a: {  	s23 =	sadd.s32 s1, s31;
	s31 =	smulhi.u32 $0x431BE2E9, s10;
	[smem:$0x7E4] =	sst s3  }
0x6b: {  	(v2sf) =	vpush v3, $0x6;
	s10 =	smulhi.u32 $0x431BE2E9, s11;
	[smem:$0x7DF] =	sst s6;
	s6 =	sshra.s32 s11, $0x1F  }
0x6c: {  	s4 =	sld [smem:$0x7D4];
	s2 =	smul.u32 $0x431BE2E9, s6  }
0x6d: {  	s11 =	spop (v2sf);
	s6 =	sadd.s32 s5, s30;
	s30 =	smulhi.u32 $0x431BE2E9, s7  }
0x6e: {  	[smem:$0x7E1] =	sst s10;
	s5 =	sshra.s32 s11, $0x1F;
	s7 =	sadd.s32 s14, s25  }
0x6f: {  	s25 =	smulhi.u32 $0x431BE2E9, s11;
	s11 =	sadd.s32 s8, s18;
	s18 =	sld [smem:$0x7CA]  }
0x70: {  	v4 =	vmul.u32 $0x6A37, v4;
	v6 =	vmul.u32 $0x8DD9, v6;
	[smem:$0x7E6] =	sst s6  }
0x71: {  	s6 =	sld [smem:$0x7C8]  }
0x72: {  	s16 =	smul.u32 $0x431BE2E9, s16;
	v6 =	vxor.u32 v4, v6;
	[smem:$0x7E9] =	sst s7  }
0x73: {  	(v2sf) =	vpush v6, $0xF;
	s14 =	spop (v2sf);
	[smem:$0x7E2] =	sst s11  }
0x74: {  	(v2sf) =	vpush v6, $0xB;
	s28 =	smul.u32 $0x431BE2E9, s5;
	s5 =	sld [smem:$0x7CB]  }
0x75: {  	s12 =	sshra.s32 s9, $0x1F;
	s1 =	spop (v2sf);
	s7 =	sld [smem:$0x7CD]  }
0x76: {  	(v2sf) =	vpush v6, $0x6;
	s29 =	smul.u32 $0x431BE2E9, s12;
	[smem:$0x7E0] =	sst s2;
	s10 =	sshra.s32 s1, $0x1F  }
0x77: {  	s16 =	sadd.s32 s16, s24;
	s21 =	smul.u32 $0x431BE2E9, s10;
	s10 =	sld [smem:$0x7CF]  }
0x78: {  	s8 =	sadd.s32 s18, s17;
	s0 =	sadd.s32 s6, s20;
	s6 =	sld [smem:$0x7CC]  }
0x79: {  	s20 =	smulhi.u32 $0x431BE2E9, s9;
	s17 =	sadd.s32 s13, s7;
	s13 =	sld [smem:$0x7D1]  }
0x7a: {  	(v2sf) =	vpush v6, $0xE;
	s9 =	sshra.s32 s14, $0x1F;
	[smem:$0x7EA] =	sst s0;
	s0 =	spop (v2sf)  }
0x7b: {  	s24 =	smul.u32 $0x431BE2E9, s9;
	s9 =	sld [smem:$0x7CE];
	s12 =	sshra.s32 s0, $0x1F  }
0x7c: {  	s19 =	sadd.s32 s15, s19;
	s15 =	smul.u32 $0x431BE2E9, s12;
	s12 =	sld [smem:$0x7D0]  }
0x7d: {  	s11 =	smulhi.u32 $0x431BE2E9, s14;
	s14 =	sld [smem:$0x7D2]  }
0x7e: {  	s18 =	sadd.s32 s6, s5;
	s5 =	sld [smem:$0x7D5];
	s2 =	sadd.s32 s10, s9  }
0x7f: {  	s22 =	smulhi.u32 $0x431BE2E9, s22;
	[smem:$0x7EB] =	sst s2;
	s2 =	sadd.s32 s12, s13  }
0x80: {  	s12 =	smulhi.u32 $0x431BE2E9, s1;
	[smem:$0x7EC] =	sst s2  }
0x81: {  	s1 =	sadd.s32 s14, s22;
	s13 =	smulhi.u32 $0x431BE2E9, s0;
	s2 =	sld [smem:$0x7D3]  }
0x82: {  	s22 =	sadd.s32 s4, s5;
	[smem:$0x7ED] =	sst s1;
	s1 =	spop (v2sf)  }
0x83: {  	s4 =	sld [smem:$0x7D7];
	s3 =	sshra.s32 s1, $0x1F;
	s6 =	spop (v2sf)  }
0x84: {  	s10 =	smul.u32 $0x431BE2E9, s3;
	s3 =	sld [smem:$0x7D6];
	s0 =	sadd.s32 s2, s26  }
0x85: {  	(v2sf) =	vpush v6, $0xA;
	s2 =	spop (v2sf);
	[smem:$0x7EE] =	sst s0  }
0x86: {  	[smem:$0x7F5] =	sst s2  }
0x87: {  	s2 =	sld [smem:$0x7D8]  }
0x88: {  	s9 =	smulhi.u32 $0x431BE2E9, s6;
	s26 =	sadd.s32 s3, s4;
	s3 =	sld [smem:$0x7D9]  }
0x89: {  	(v2sf) =	vpush v6, $0xD;
	s7 =	sshra.s32 s6, $0x1F;
	s5 =	spop (v2sf);
	s4 =	sld [smem:$0x7DA]  }
0x8a: {  	s6 =	smulhi.u32 $0x431BE2E9, s5;
	s0 =	sshra.s32 s5, $0x1F;
	s5 =	sld [smem:$0x7DB]  }
0x8b: {  	s14 =	smulhi.u32 $0x431BE2E9, s1;
	s1 =	sadd.s32 s2, s3;
	s3 =	sld [smem:$0x7DC]  }
0x8c: {  	(v2sf) =	vpush v6, $0x9;
	s7 =	smul.u32 $0x431BE2E9, s7;
	[smem:$0x7F3] =	sst s1  }
0x8d: {  	s10 =	sadd.s32 s10, s14;
	s1 =	sadd.s32 s4, s5;
	s4 =	sld [smem:$0x7DD]  }
0x8e: {  	(v2sf) =	vpush v6, $0x5;
	[smem:$0x7F8] =	sst s10;
	s7 =	sadd.s32 s7, s9  }
0x8f: {  	(v2sf) =	vpush v6, $0xC;
	[smem:$0x7F9] =	sst s7  }
0x90: {  	s5 =	smul.u32 $0x431BE2E9, s0;
	s0 =	sadd.s32 s3, s4;
	s3 =	sld [smem:$0x7DE]  }
0x91: {  	[smem:$0x7EF] =	sst s1  }
0x92: {  	s14 =	sadd.s32 s5, s6;
	s5 =	sld [smem:$0x7E4]  }
0x93: {  	s2 =	sadd.s32 s3, s30;
	s3 =	sld [smem:$0x7DF]  }
0x94: {  	s25 =	sadd.s32 s28, s25;
	s1 =	spop (v2sf);
	[smem:$0x7F0] =	sst s0  }
0x95: {  	(v2sf) =	vpush v6, $0x8;
	s4 =	smulhi.u32 $0x431BE2E9, s1;
	s1 =	sshra.s32 s1, $0x1F;
	[smem:$0x7F1] =	sst s2  }
0x96: {  	s2 =	sadd.s32 s3, s31;
	s3 =	smul.u32 $0x431BE2E9, s1;
	s1 =	sld [smem:$0x7E0]  }
0x97: {  	s20 =	sadd.s32 s29, s20;
	s11 =	sadd.s32 s24, s11;
	[smem:$0x7F2] =	sst s2  }
0x98: {  	s13 =	sadd.s32 s15, s13;
	s0 =	spop (v2sf);
	s2 =	sld [smem:$0x7E1]  }
0x99: {  	[smem:$0x7F6] =	sst s14;
	s30 =	smulhi.u32 $0x431BE2E9, s0;
	s0 =	sshra.s32 s0, $0x1F  }
0x9a: {  	s15 =	sadd.s32 s3, s4;
	s3 =	sshrl.u32 s23, $0x1F;
	s4 =	sshra.s32 s23, $0x12  }
0x9b: {  	s31 =	sadd.s32 s1, s2;
	s2 =	smul.u32 $0x431BE2E9, s0;
	s1 =	spop (v2sf)  }
0x9c: {  	(v2sf) =	vpush v6, $0x4;
	s23 =	sld [smem:$0x7E3];
	s29 =	smulhi.u32 $0x431BE2E9, s1;
	s0 =	sshra.s32 s1, $0x1F  }
0x9d: {  	s21 =	sadd.s32 s21, s12;
	s28 =	spop (v2sf);
	s1 =	smul.u32 $0x431BE2E9, s0  }
0x9e: {  	s7 =	sshra.s32 s8, $0x1F;
	(v2sf) =	vpush v6, $0x3;
	s24 =	smulhi.u32 $0x431BE2E9, s28;
	s0 =	spop (v2sf)  }
0x9f: {  	s12 =	sshra.s32 s28, $0x1F;
	s28 =	smulhi.u32 $0x431BE2E9, s0;
	s0 =	sshra.s32 s0, $0x1F  }
0xa0: {  	s6 =	sshra.s32 s8, $0x12;
	[smem:$0x7F7] =	sst s15;
	s0 =	smul.u32 $0x431BE2E9, s0  }
0xa1: {  	s15 =	sshrl.u32 s16, $0x1F;
	s16 =	sshra.s32 s16, $0x12;
	s12 =	smul.u32 $0x431BE2E9, s12  }
0xa2: {  	v11 =	vmov s16;
	s16 =	sshra.s32 s18, $0x1F;
	s2 =	sadd.s32 s2, s30;
	s30 =	sadd.s32 s0, s28  }
0xa3: {  	s28 =	sadd.s32 s12, s24;
	s12 =	sshrl.u32 s8, $0x1F;
	s8 =	sld [smem:$0x7E2]  }
0xa4: {  	[smem:$0x7F4] =	sst s2;
	s2 =	sshrl.u32 s5, $0x1F;
	s10 =	spop (v2sf)  }
0xa5: {  	v9 =	vmov s4;
	s29 =	sadd.s32 s1, s29;
	s4 =	smulhi.u32 $0x431BE2E9, s10;
	s24 =	sshrl.u32 s23, $0x1F  }
0xa6: {  	v7 =	vmov s3;
	s0 =	sshra.s32 s23, $0x12;
	s23 =	sld [smem:$0x7E5];
	s14 =	sshra.s32 s8, $0x1F  }
0xa7: {  	v8 =	vmov s15;
	s15 =	sshra.s32 s10, $0x1F;
	s10 =	sshra.s32 s19, $0x12;
	v10 =	vmov s12;
	s12 =	sshra.s32 s5, $0x12;
	v4 =	vmov s14  }
0xa8: {  	v8 =	vsel vm0, s2, v8;
	s2 =	smul.u32 $0x431BE2E9, s15;
	s5 =	sshra.s32 s17, $0x12;
	v11 =	vsel vm0, s12, v11;
	s12 =	sshra.s32 s19, $0x1F;
	v4 =	vsel vm4, s6, v4  }
0xa9: {  	v7 =	vsel vm0, s24, v7;
	s24 =	sshrl.u32 s23, $0x1F;
	s9 =	sshra.s32 s23, $0x12;
	s14 =	sshra.s32 s18, $0x12;
	v4 =	vsel vm10, s7, v4  }
0xaa: {  	v10 =	vnsel vm4, $0x0, v10;
	s3 =	sshrl.u32 s8, $0x1F;
	s7 =	sshrl.u32 s18, $0x1F;
	v4 =	vsel vm0, s14, v4;
	s14 =	sld [smem:$0x7E6]  }
0xab: {  	v10 =	vsel vm0, s7, v10;
	s7 =	sadd.s32 s2, s4;
	s2 =	sshrl.u32 s19, $0x1F;
	v4 =	vsel vm9, s16, v4;
	s16 =	spop (v2sf)  }
0xac: {  	vm3 =	vmmov vm14;
	v7 =	vsel vm1, s24, v7;
	s23 =	smulhi.u32 $0x431BE2E9, s16;
	s24 =	sshra.s32 s16, $0x1F;
	s16 =	sld [smem:$0x7E8]  }
0xad: {  	vm14 =	vmmov vm15;
	v9 =	vsel vm0, s0, v9;
	v4 =	vsel vm1, s10, v4;
	s10 =	simm.s32 $0x37;
	s4 =	spop (v2sf);
	s1 =	smul.u32 $0x431BE2E9, s24  }
0xae: {  	vm15 =	vmmov vm12;
	vm12 =	vcmask $0x1714;
	v9 =	vsel vm1, s9, v9;
	s15 =	sshrl.u32 s14, $0x1F;
	s9 =	sshra.s32 s14, $0x12;
	s14 =	sld [smem:$0x7E7]  }
0xaf: {  	v4 =	vsel vm12, s12, v4;
	v12 =	vld [tilespmem:s10+$0x0];
	s12 =	sshra.s32 s17, $0x1F;
	s0 =	sadd.s32 s1, s23;
	s23 =	sld [smem:$0x7E9]  }
0xb0: {  	v13 =	vld [tilespmem:s10+$0x1];
	v8 =	vsel vm1, s15, v8;
	v11 =	vsel vm1, s9, v11;
	s9 =	sshrl.u32 s17, $0x1F;
	s18 =	sshrl.u32 s16, $0x1F;
	[smem:$0x7FA] =	sst s0  }
0xb1: {  	s10 =	sshra.s32 s16, $0x12;
	s15 =	sshrl.u32 s14, $0x1F;
	v8 =	vsel vm2, s18, v8;
	s18 =	sld [smem:$0x7EB]  }
0xb2: {  	(v2sf) =	vpush v6, $0x2;
	v4 =	vsel vm2, s5, v4;
	s6 =	sshra.s32 s14, $0x12;
	v7 =	vsel vm2, s15, v7;
	s15 =	sld [smem:$0x7EA];
	s24 =	sshra.s32 s23, $0x12  }
0xb3: {  	(v2sf) =	vpush v6, $0x1;
	v10 =	vsel vm1, s2, v10;
	v4 =	vsel vm13, s12, v4;
	s12 =	sshra.s32 s23, $0x1F;
	s14 =	sshrl.u32 s23, $0x1F;
	s23 =	sld [smem:$0x7EC]  }
0xb4: {  	v10 =	vsel vm2, s9, v10;
	v11 =	vsel vm2, s10, v11;
	s10 =	smov.u32 s8;
	v4 =	vsel vm5, s24, v4;
	s19 =	sshra.s32 s18, $0x12;
	s24 =	sshrl.u32 s18, $0x1F  }
0xb5: {  	(v2sf) =	vpush v6, $0x0;
	v10 =	vsel vm5, s14, v10;
	s1 =	sshra.s32 s18, $0x1F;
	v4 =	vsel vm3, s12, v4;
	s2 =	sshrl.u32 s15, $0x1F;
	s12 =	sld [smem:$0x7ED]  }
0xb6: {  	s16 =	sshra.s32 s15, $0x12;
	s17 =	sshra.s32 s15, $0x1F;
	s9 =	sshra.s32 s23, $0x1F;
	v10 =	vsel vm6, s2, v10  }
0xb7: {  	(v2sf) =	vpush v6, $0x7;
	v4 =	vsel vm6, s16, v4;
	s2 =	sshra.s32 s10, $0x12;
	s16 =	sld [smem:$0x7EE];
	v10 =	vsel vm7, s24, v10;
	s24 =	sshra.s32 s22, $0x1F  }
0xb8: {  	v14 =	vsel vm14, s17, v4;
	v4 =	vmov s9;
	s9 =	sshrl.u32 s22, $0x1F;
	s14 =	sshra.s32 s12, $0x12;
	s15 =	sshra.s32 s12, $0x1F  }
0xb9: {  	v9 =	vsel vm2, s6, v9;
	s6 =	sshrl.u32 s12, $0x1F;
	v37 =	vsel vm7, s19, v14;
	s19 =	sshra.s32 s22, $0x12;
	s22 =	sld [smem:$0x7F3]  }
0xba: {  	v12 =	vmul.u32 $0x6A37, v12;
	v13 =	vmul.u32 $0x8DD9, v13;
	s12 =	sshrl.u32 s20, $0x1F;
	v15 =	vsel vm4, s14, v4;
	s17 =	sshra.s32 s16, $0x12;
	s18 =	sshra.s32 s16, $0x1F  }
0xbb: {  	s8 =	sshrl.u32 s16, $0x1F;
	s14 =	sld [smem:$0x7EF];
	s16 =	sshra.s32 s26, $0x12;
	v39 =	vmov s6;
	v38 =	vsel vm10, s15, v15  }
0xbc: {  	v4 =	vxor.u32 v12, v13;
	s6 =	sshrl.u32 s26, $0x1F;
	s15 =	sld [smem:$0x7F0];
	v14 =	vnsel vm4, $0x0, v39;
	v13 =	vsel vm0, s17, v38;
	s17 =	sshra.s32 s26, $0x1F  }
0xbd: {  	v7 =	vcombine.low v8, v7;
	v14 =	vsel vm0, s8, v14;
	s26 =	sshra.s32 s22, $0x1F;
	s8 =	sshrl.u32 s22, $0x1F;
	v13 =	vsel vm9, s18, v13;
	s18 =	sld [smem:$0x7F1]  }
0xbe: {  	v8 =	vcombine.low v11, v9;
	v12 =	vsel vm15, s1, v37;
	s1 =	sshrl.u32 s14, $0x1F;
	s5 =	sshra.s32 s14, $0x12;
	v13 =	vsel vm1, s19, v13;
	s19 =	sld [smem:$0x7F2]  }
0xbf: {  	v7 =	vperm.xlane v7, v0;
	(v2sf) =	vpush v4, $0x7;
	s10 =	sshrl.u32 s15, $0x1F;
	s0 =	sshra.s32 s15, $0x12;
	v40 =	vmov s1;
	s1 =	sshra.s32 s23, $0x12  }
0xc0: {  	v10 =	vsel vm11, s3, v10;
	(v2sf) =	vpush v4, $0x0;
	v13 =	vsel vm12, s24, v13;
	s24 =	sshra.s32 s22, $0x12;
	s22 =	sshra.s32 s31, $0x12;
	s14 =	sshrl.u32 s18, $0x1F  }
0xc1: {  	(v2sf) =	vpush v4, $0x1;
	v17 =	vmov s5;
	s15 =	sshra.s32 s18, $0x12;
	v13 =	vsel vm2, s16, v13;
	s18 =	spop (v2sf);
	s3 =	sshrl.u32 s19, $0x1F  }
0xc2: {  	v16 =	vmov s10;
	s16 =	sshra.s32 s19, $0x12;
	v13 =	vsel vm13, s17, v13;
	s17 =	sshra.s32 s20, $0x12;
	s19 =	spop (v2sf);
	v17 =	vsel vm0, s15, v17  }
0xc3: {  	s10 =	sshra.s32 s31, $0x1F;
	v18 =	vmov s0;
	s0 =	sshrl.u32 s31, $0x1F;
	v15 =	vsel vm0, s14, v40;
	v17 =	vsel vm1, s17, v17;
	s17 =	smulhi.u32 $0x431BE2E9, s19  }
0xc4: {  	v13 =	vsel vm5, s24, v13;
	s24 =	sshrl.u32 s25, $0x1F;
	s5 =	spop (v2sf);
	v16 =	vsel vm0, s3, v16;
	v15 =	vsel vm1, s12, v15;
	s12 =	smulhi.u32 $0x431BE2E9, s4  }
0xc5: {  	v8 =	vperm.xlane v8, v0;
	(v2sf) =	vpush v4, $0x2;
	s14 =	sshrl.u32 s23, $0x1F;
	s4 =	sshra.s32 s4, $0x1F;
	v16 =	vsel vm1, s24, v16;
	s24 =	smulhi.u32 $0x431BE2E9, s5  }
0xc6: {  	v12 =	vsel vm11, s2, v12;
	(v2sf) =	vpush v4, $0x3;
	s20 =	sshrl.u32 s11, $0x1F;
	v13 =	vsel vm3, s26, v13;
	s26 =	spop (v2sf);
	s4 =	smul.u32 $0x431BE2E9, s4  }
0xc7: {  	v10 =	vperm.xlane v10, v2;
	v12 =	vperm.xlane v12, v2;
	v14 =	vsel vm1, s9, v14;
	s23 =	sshrl.u32 s21, $0x1F;
	s25 =	sshra.s32 s25, $0x12;
	s15 =	smulhi.u32 $0x431BE2E9, s26  }
0xc8: {  	v14 =	vsel vm2, s6, v14;
	v18 =	vsel vm0, s16, v18;
	s6 =	sshra.s32 s26, $0x1F;
	s26 =	sshra.s32 s5, $0x1F;
	s5 =	smulhi.u32 $0x431BE2E9, s18  }
0xc9: {  	v7 =	vsel vm8, v10, v7;
	v8 =	vsel vm8, v12, v8;
	s16 =	simm.s32 $0x490;
	v18 =	vsel vm1, s25, v18;
	s25 =	sshra.s32 s21, $0x12;
	s6 =	smul.u32 $0x431BE2E9, s6  }
0xca: {  	v14 =	vsel vm5, s8, v14;
	(v2sf) =	vpush v4, $0x4;
	v15 =	vsel vm2, s20, v15;
	s20 =	sshra.s32 s19, $0x1F;
	s18 =	sshra.s32 s18, $0x1F;
	s8 =	smul.u32 $0x431BE2E9, s26  }
0xcb: {  	v7 =	vadd.s32 v7, v8;
	v13 =	vsel vm6, s22, v13;
	s22 =	sshra.s32 s11, $0x12;
	s21 =	smul.u32 $0x431BE2E9, s18;
	s4 =	sadd.s32 s4, s12  }
0xcc: {  	v7 =	vmul.u32 $0xF423F, v7;
	(v2sf) =	vpush v4, $0xC;
	v42 =	vsel vm2, s22, v17;
	s22 =	sshra.s32 s13, $0x12;
	s18 =	sshrl.u32 s30, $0x1F;
	s12 =	sshra.s32 s4, $0x1F  }
0xcd: {  	(v2sf) =	vpush v4, $0x8;
	s3 =	sadd.s32 s6, s15;
	s15 =	sshrl.u32 s13, $0x1F;
	s9 =	sadd.s32 s8, s24  }
0xce: {  	v14 =	vsel vm6, s0, v14;
	v5 =	vsub.s32 v5, v7;
	(v2sf) =	vpush v4, $0xD;
	s8 =	smul.u32 $0x431BE2E9, s20;
	s24 =	sshra.s32 s13, $0x1F;
	s5 =	sadd.s32 s21, s5  }
0xcf: {  	(v2sf) =	vpush v4, $0x9;
	v41 =	vsel vm2, s23, v16;
	v13 =	vsel vm14, s10, v13;
	s21 =	sshrl.u32 s7, $0x1F;
	s7 =	sshra.s32 s7, $0x12;
	s6 =	sld [smem:$0x7F5]  }
0xd0: {  	v43 =	vsel vm2, s25, v18;
	v13 =	vsel vm7, s22, v13;
	v14 =	vsel vm7, s15, v14;
	s15 =	smov.u32 s30;
	s19 =	sshra.s32 s9, $0x12;
	s22 =	sshra.s32 s9, $0x1F  }
0xd1: {  	(v2sf) =	vpush v4, $0x5;
	v8 =	vcombine.low v41, v15;
	v44 =	vsel vm15, s24, v13;
	s9 =	sshrl.u32 s9, $0x1F;
	s24 =	sld [smem:$0x7F4];
	s2 =	spop (v2sf)  }
0xd2: {  	(v2sf) =	vpush v4, $0xE;
	v48 =	vmov s21;
	v51 =	vmov s7;
	s21 =	sshra.s32 s29, $0x12;
	s7 =	sshrl.u32 s3, $0x1F;
	s0 =	spop (v2sf)  }
0xd3: {  	v46 =	vmov s18;
	v7 =	vcombine.low v43, v42;
	v14 =	vsel vm11, s14, v14;
	s14 =	sshra.s32 s3, $0x1F;
	s8 =	sadd.s32 s8, s17;
	s26 =	spop (v2sf)  }
0xd4: {  	v8 =	vperm.xlane v8, v0;
	s20 =	sshra.s32 s15, $0x12;
	v50 =	vmov s9;
	s9 =	sshra.s32 s4, $0x12;
	v45 =	vmov s14;
	s25 =	spop (v2sf)  }
0xd5: {  	v7 =	vperm.xlane v7, v0;
	v10 =	vsel vm11, s1, v44;
	s4 =	sshrl.u32 s4, $0x1F;
	s14 =	sshrl.u32 s29, $0x1F;
	v47 =	vsel vm4, s19, v45;
	s23 =	spop (v2sf)  }
0xd6: {  	v53 =	vsel vm0, s21, v51;
	s1 =	smulhi.u32 $0x431BE2E9, s6;
	(v2sf) =	vpush v4, $0xA;
	v9 =	vsel vm10, s22, v47;
	s13 =	smov.u32 s23;
	s23 =	sshra.s32 s8, $0x12  }
0xd7: {  	v49 =	vmov s20;
	v14 =	vperm.xlane v14, v2;
	s15 =	sshra.s32 s8, $0x1F;
	s20 =	sshra.s32 s5, $0x12;
	v9 =	vsel vm0, s23, v9;
	s23 =	sld [smem:$0x7F6]  }
0xd8: {  	v10 =	vperm.xlane v10, v2;
	s6 =	sshra.s32 s6, $0x1F;
	s11 =	sshrl.u32 s24, $0x1F;
	(v2sf) =	vpush v4, $0xF;
	v9 =	vsel vm9, s15, v9;
	s15 =	sld [smem:$0x7F7]  }
0xd9: {  	v54 =	vnsel vm4, $0x0, v50;
	v12 =	vsel vm0, s14, v48;
	s14 =	sshra.s32 s5, $0x1F;
	v13 =	vsel vm0, s11, v46;
	s31 =	spop (v2sf);
	s8 =	sshrl.u32 s8, $0x1F  }
0xda: {  	(v2sf) =	vpush v4, $0xB;
	v15 =	vsel vm0, s8, v54;
	s8 =	smul.u32 $0x431BE2E9, s6;
	s6 =	rddreg [dreg:$0x5];
	v9 =	vsel vm1, s20, v9;
	s10 =	sshrl.u32 s23, $0x1F  }
0xdb: {  	v8 =	vsel vm8, v14, v8;
	s17 =	spop (v2sf);
	v9 =	vsel vm12, s14, v9;
	v13 =	vsel vm1, s10, v13;
	s11 =	sshra.s32 s15, $0x12;
	s10 =	sld [smem:$0x7F9]  }
0xdc: {  	s19 =	sshra.s32 s24, $0x12;
	s30 =	spop (v2sf);
	(v2sf) =	vpush v4, $0x6;
	v9 =	vsel vm2, s9, v9;
	v14 =	vsel vm1, s11, v53;
	s11 =	sld [smem:$0x7F8]  }
0xdd: {  	s5 =	sshrl.u32 s5, $0x1F;
	v52 =	vsel vm0, s19, v49;
	s19 =	simm.s32 $0x2;
	v9 =	vsel vm13, s12, v9;
	s12 =	sld [smem:$0x7FA]  }
0xde: {  	v7 =	vsel vm8, v10, v7;
	v58 =	vsel vm1, s5, v15;
	s5 =	sshra.s32 s31, $0x1F;
	s18 =	spop (v2sf);
	s1 =	sadd.s32 s8, s1  }
0xdf: {  	v60 =	vadd.s32 $0xF423F, v5;
	v7 =	vadd.s32 v8, v7;
	s22 =	spop (v2sf);
	s21 =	sshrl.u32 s15, $0x1F;
	s14 =	sshrl.u32 s11, $0x1F  }
0xe0: {  	v7 =	vmul.u32 $0xF423F, v7;
	s23 =	sshra.s32 s23, $0x12;
	v12 =	vsel vm1, s21, v12;
	s15 =	sshrl.u32 s10, $0x1F;
	v55 =	vsel vm2, s14, v13;
	s14 =	sshra.s32 s12, $0x12  }
0xe1: {  	s24 =	spop (v2sf);
	v11 =	vsel vm1, s23, v52;
	v12 =	vsel vm2, s15, v12;
	s15 =	sshra.s32 s11, $0x12;
	s9 =	sshra.s32 s12, $0x1F;
	v8 =	vsel vm5, s14, v9  }
0xe2: {  	v7 =	vsub.s32 v3, v7;
	s8 =	sshrl.u32 s1, $0x1F;
	s20 =	spop (v2sf);
	v11 =	vsel vm2, s15, v11;
	s14 =	sshra.s32 s28, $0x12;
	v8 =	vsel vm3, s9, v8  }
0xe3: {  	s11 =	sshra.s32 s10, $0x12;
	s10 =	sshra.s32 s28, $0x1F;
	s15 =	sshrl.u32 s12, $0x1F;
	v56 =	vcombine.low v12, v55;
	v12 =	vsel vm2, s4, v58;
	v8 =	vsel vm6, s14, v8  }
0xe4: {  	v59 =	vsel vm2, s11, v14;
	s11 =	sshrl.u32 s28, $0x1F;
	s12 =	sshra.s32 s1, $0x12;
	s1 =	sshra.s32 s1, $0x1F;
	v12 =	vsel vm5, s15, v12;
	v8 =	vsel vm14, s10, v8  }
0xe5: {  	s21 =	spop (v2sf);
	v11 =	vcombine.low v59, v11;
	s14 =	sshra.s32 s2, $0x1F;
	v12 =	vsel vm6, s11, v12;
	s2 =	smulhi.u32 $0x431BE2E9, s2;
	v8 =	vsel vm7, s12, v8  }
0xe6: {  	s4 =	sshra.s32 s30, $0x1F;
	s9 =	sshra.s32 s3, $0x12;
	v9 =	vperm.xlane v56, v0;
	s15 =	smul.u32 $0x431BE2E9, s14;
	v12 =	vsel vm7, s8, v12;
	v8 =	vsel vm15, s1, v8  }
0xe7: {  	s23 =	spop (v2sf);
	v11 =	vperm.xlane v11, v0;
	s10 =	sshra.s32 s0, $0x1F;
	s0 =	smulhi.u32 $0x431BE2E9, s0;
	v12 =	vsel vm11, s7, v12;
	v8 =	vsel vm11, s9, v8  }
0xe8: {  	v57 =	vor.u32 s6, v1;
	s3 =	sshra.s32 s17, $0x1F;
	s11 =	sshra.s32 s26, $0x1F;
	s12 =	smul.u32 $0x431BE2E9, s10;
	v12 =	vperm.xlane v12, v2;
	v8 =	vperm.xlane v8, v2  }
0xe9: {  	v10 =	vand.u32 $0x1C6F, v57;
	vm12 =	vmmov vm10;
	vm10 =	vmmov vm9;
	s29 =	spop (v2sf);
	s14 =	sshra.s32 s25, $0x1F;
	s1 =	smul.u32 $0x431BE2E9, s11  }
0xea: {  	vm9 =	vlt.s32 v5, $0x0;
	s7 =	sshra.s32 s13, $0x1F;
	s8 =	sadd.s32 s15, s2;
	s15 =	smulhi.u32 $0x431BE2E9, s26;
	v3 =	vsel vm8, v12, v9;
	v8 =	vsel vm8, v8, v11  }
0xeb: {  	v5 =	vsel vm9, v60, v5;
	vm9 =	veq.s32 v10, $0x0;
	s28 =	spop (v2sf);
	s9 =	sadd.s32 s12, s0;
	s12 =	smul.u32 $0x431BE2E9, s14;
	v8 =	vadd.s32 v3, v8;
	v3 =	vld [tilespmem:$0x1C880]  }
0xec: {  	v61 =	vadd.s32 $0xF423F, v7;
	v5 =	vsel vm9, $0xF423F, v5;
	s26 =	sshra.s32 s8, $0x1F;
	s0 =	sshra.s32 s18, $0x1F;
	s14 =	smulhi.u32 $0x431BE2E9, s25  }
0xed: {  	vm9 =	vlt.s32 v7, $0x0;
	v62 =	vmov s26;
	s10 =	sshra.s32 s9, $0x12;
	s2 =	sadd.s32 s1, s15;
	s26 =	simm.s32 $0x490;
	[tilespmem:s16+$0xFFFFFFF0] =	vst v5;
	v8 =	vmul.u32 $0xF423F, v8  }
0xee: {  	v7 =	vsel vm9, v61, v7;
	s15 =	sshra.s32 s9, $0x1F;
	v63 =	vsel vm4, s10, v62;
	s10 =	sadd.s32 $0x20, s6;
	[dreg:$0x6] =	wrdreg s26  }
0xef: {  	s11 =	sshra.s32 s2, $0x12;
	s1 =	sshra.s32 s2, $0x1F;
	s6 =	simm.s32 $0x57;
	[tilespmem:s16+$0x0] =	vst v7;
	v7 =	vsel vm12, s15, v63;
	v5 =	vsub.s32 v6, v8;
	v6 =	vor.u32 s10, v1  }
.LBB2_2:
0xf0: {  	s7 =	smul.u32 $0x431BE2E9, s7  }
0xf1: {  	s25 =	smulhi.u32 $0x431BE2E9, s13  }
0xf2: {  	[dreg:$0xa] =	wrdreg s6;
	s5 =	smul.u32 $0x431BE2E9, s5  }
0xf3: {  	[dreg:$0x8] =	wrdreg s10;
	s15 =	sshrl.u32 s9, $0x1F;
	s3 =	smul.u32 $0x431BE2E9, s3  }
0xf4: {  	v8 =	vld [tilespmem:s6+$0xFFFFFFF0];
	s4 =	smul.u32 $0x431BE2E9, s4;
	s9 =	sadd.s32 s12, s14;
	s14 =	rddreg [dreg:$0xa]  }
0xf5: {  	v10 =	vld [tilespmem:s6+$0xFFFFFFF1];
	s17 =	smulhi.u32 $0x431BE2E9, s17;
	v55 =	vmov s15;
	s15 =	rddreg [dreg:$0x6]  }
0xf6: {  	vm9 =	vlt.s32 v5, $0x0;
	v9 =	vadd.s32 $0xF423F, v5;
	v6 =	vand.u32 $0x1C6F, v6;
	s18 =	smulhi.u32 $0x431BE2E9, s18;
	s19 =	sadd.s32 $0x2, s19;
	s16 =	rddreg [dreg:$0xa]  }
0xf7: {  	v5 =	vsel vm9, v9, v5;
	vm9 =	veq.s32 v6, $0x0;
	v6 =	vsel vm0, s11, v7;
	s11 =	sshra.s32 s21, $0x1F;
	[dreg:$0x9] =	wrdreg s19;
	s26 =	sshra.s32 s9, $0x12  }
0xf8: {  	s12 =	sshra.s32 s9, $0x1F;
	v7 =	vld [tilespmem:s14+$0x0];
	s14 =	sshra.s32 s22, $0x1F;
	s13 =	sadd.s32 $0x20, s15  }
0xf9: {  	v5 =	vsel vm9, $0xF423F, v5;
	s6 =	sadd.s32 s7, s25;
	s25 =	smulhi.u32 $0x431BE2E9, s31;
	s7 =	sshra.s32 s24, $0x1F  }
0xfa: {  	v11 =	vld [tilespmem:s16+$0x1];
	s15 =	sshra.s32 s20, $0x1F;
	s16 =	sshrl.u32 s2, $0x1F;
	s14 =	smul.u32 $0x431BE2E9, s14;
	v56 =	vmul.u32 $0x8DD9, v10;
	v8 =	vmul.u32 $0x6A37, v8  }
0xfb: {  	v6 =	vsel vm10, s1, v6;
	s2 =	sshra.s32 s23, $0x1F;
	s9 =	sshrl.u32 s9, $0x1F;
	[tilespmem:s13+$0xFFFFFFF0] =	vst v5;
	v5 =	vnsel vm4, $0x0, v55;
	s7 =	smul.u32 $0x431BE2E9, s7  }
0xfc: {  	v6 =	vsel vm1, s26, v6;
	s26 =	sshra.s32 s6, $0x12;
	s10 =	sshra.s32 s6, $0x1F;
	s2 =	smul.u32 $0x431BE2E9, s2;
	v57 =	vsel vm0, s16, v5;
	v5 =	vxor.u32 v8, v56  }
0xfd: {  	vm12 =	vcmask $0x1714;
	s6 =	sshrl.u32 s6, $0x1F;
	s1 =	sadd.s32 s5, s25;
	s25 =	smulhi.u32 $0x431BE2E9, s30;
	(v2sf) =	vpush v5, $0xF  }
0xfe: {  	v6 =	vsel vm12, s12, v6;
	s5 =	sadd.s32 s3, s17;
	s3 =	sshra.s32 s28, $0x1F;
	s17 =	smulhi.u32 $0x431BE2E9, s24;
	(v2sf) =	vpush v5, $0xB  }
0xff: {  	vm13 =	vcmask $0x1F1C;
	[dreg:$0x6] =	wrdreg s13;
	v6 =	vsel vm2, s26, v6;
	s26 =	sshra.s32 s1, $0x12;
	s3 =	smul.u32 $0x431BE2E9, s3;
	(v2sf) =	vpush v5, $0x6  }
0x100: {  	s16 =	sshrl.u32 s5, $0x1F;
	s5 =	sshra.s32 s5, $0x12;
	v6 =	vsel vm13, s10, v6;
	s10 =	smul.u32 $0x431BE2E9, s0;
	(v2sf) =	vpush v5, $0xE  }
0x101: {  	s12 =	sshra.s32 s1, $0x1F;
	s4 =	sadd.s32 s4, s25;
	v7 =	vmul.u32 $0x6A37, v7;
	v8 =	vmul.u32 $0x8DD9, v11;
	v58 =	vsel vm5, s26, v6;
	s26 =	smulhi.u32 $0x431BE2E9, s22  }
0x102: {  	s1 =	sshrl.u32 s1, $0x1F;
	s25 =	sshrl.u32 s4, $0x1F;
	s22 =	smul.u32 $0x431BE2E9, s15;
	(v2sf) =	vpush v5, $0xA  }
0x103: {  	s0 =	sshra.s32 s29, $0x1F;
	s7 =	sadd.s32 s7, s17;
	v6 =	vxor.u32 v7, v8;
	v8 =	vmov s25;
	s25 =	smul.u32 $0x431BE2E9, s11  }
0x104: {  	v7 =	vmov s16;
	s16 =	sadd.s32 s10, s18;
	s10 =	sadd.s32 s14, s26;
	s26 =	smulhi.u32 $0x431BE2E9, s20;
	(v2sf) =	vpush v5, $0xD  }
0x105: {  	s4 =	sshra.s32 s4, $0x12;
	s15 =	sshra.s32 s7, $0x12;
	s14 =	smulhi.u32 $0x431BE2E9, s21  }
0x106: {  	vm14 =	vcmask $0x2724;
	v10 =	vsel vm1, s9, v57;
	s18 =	sshrl.u32 s16, $0x1F;
	s24 =	sshrl.u32 s10, $0x1F;
	s9 =	sshra.s32 s16, $0x12;
	(v2sf) =	vpush v5, $0x9  }
0x107: {  	v9 =	vsel vm14, s12, v58;
	s12 =	sshra.s32 s10, $0x12;
	s16 =	sshra.s32 s7, $0x1F;
	v7 =	vsel vm0, s18, v7;
	s18 =	smul.u32 $0x431BE2E9, s0;
	(v2sf) =	vpush v5, $0x5  }
0x108: {  	v59 =	vmov s5;
	s10 =	sshrl.u32 s8, $0x1F;
	s5 =	sadd.s32 s22, s26;
	s22 =	smulhi.u32 $0x431BE2E9, s23  }
0x109: {  	v10 =	vsel vm2, s6, v10;
	s6 =	sadd.s32 s25, s14;
	s23 =	sshrl.u32 s7, $0x1F;
	s26 =	smulhi.u32 $0x431BE2E9, s28;
	(v2sf) =	vpush v5, $0xC  }
0x10a: {  	vm15 =	vcmask $0x2F2C;
	s25 =	smulhi.u32 $0x431BE2E9, s29;
	s0 =	sshra.s32 s8, $0x12;
	s17 =	sshrl.u32 s5, $0x1F  }
0x10b: {  	v12 =	vmov s4;
	v8 =	vsel vm0, s24, v8;
	s20 =	sshrl.u32 s6, $0x1F;
	s24 =	sshra.s32 s6, $0x12;
	s4 =	sadd.s32 s3, s26;
	(v2sf) =	vpush v5, $0x8  }
0x10c: {  	v10 =	vsel vm5, s1, v10;
	v9 =	vsel vm6, s15, v9;
	s2 =	sadd.s32 s2, s22;
	s22 =	sshra.s32 s4, $0x12;
	(v2sf) =	vpush v5, $0x4;
	s11 =	spop (v2sf)  }
0x10d: {  	v9 =	vsel vm15, s16, v9;
	v10 =	vsel vm6, s23, v10;
	s23 =	sshrl.u32 s4, $0x1F;
	(v2sf) =	vpush v5, $0x3;
	s8 =	smulhi.u32 $0x431BE2E9, s11;
	s1 =	spop (v2sf)  }
0x10e: {  	vm3 =	vcmask $0x3734;
	v12 =	vsel vm0, s12, v12;
	s4 =	sshra.s32 s4, $0x1F;
	v9 =	vsel vm7, s22, v9;
	s12 =	smulhi.u32 $0x431BE2E9, s1;
	s3 =	spop (v2sf)  }
0x10f: {  	v9 =	vsel vm3, s4, v9;
	(v2sf) =	vpush v5, $0x2;
	s1 =	sshra.s32 s1, $0x1F;
	s15 =	smulhi.u32 $0x431BE2E9, s3;
	s6 =	spop (v2sf)  }
0x110: {  	s21 =	sshra.s32 s5, $0x12;
	v9 =	vsel vm11, s0, v9;
	s0 =	smul.u32 $0x431BE2E9, s1;
	[dreg:$0x18] =	wrdreg s12  }
0x111: {  	v11 =	vsel vm0, s9, v59;
	s5 =	sadd.s32 s18, s25;
	(v2sf) =	vpush v5, $0x1;
	s16 =	smulhi.u32 $0x431BE2E9, s6;
	s18 =	spop (v2sf)  }
0x112: {  	v11 =	vsel vm1, s21, v11;
	s6 =	sshra.s32 s6, $0x1F;
	[dreg:$0xd] =	wrdreg s15;
	s21 =	smulhi.u32 $0x431BE2E9, s18  }
0x113: {  	v7 =	vsel vm1, s17, v7;
	v8 =	vsel vm1, s20, v8;
	s7 =	sshrl.u32 s2, $0x1F;
	(v2sf) =	vpush v5, $0x0;
	s20 =	spop (v2sf);
	s6 =	smul.u32 $0x431BE2E9, s6  }
0x114: {  	v7 =	vsel vm2, s7, v7;
	(v2sf) =	vpush v5, $0x7;
	s7 =	smulhi.u32 $0x431BE2E9, s20;
	s20 =	sshra.s32 s20, $0x1F;
	[smem:$0x7BE] =	sst s21  }
0x115: {  	(v2sf) =	vpush v6, $0x7;
	s21 =	spop (v2sf);
	s20 =	smul.u32 $0x431BE2E9, s20  }
0x116: {  	v12 =	vsel vm1, s24, v12;
	s24 =	smulhi.u32 $0x431BE2E9, s21;
	s22 =	spop (v2sf)  }
0x117: {  	(v2sf) =	vpush v6, $0x0;
	[dreg:$0x1c] =	wrdreg s16;
	s25 =	smulhi.u32 $0x431BE2E9, s22  }
0x118: {  	v10 =	vsel vm7, s23, v10;
	(v2sf) =	vpush v6, $0x1;
	s23 =	spop (v2sf);
	s20 =	sadd.s32 s20, s7;
	s7 =	sld [smem:$0x7BE]  }
0x119: {  	[smem:$0x7BF] =	sst s24;
	s9 =	smulhi.u32 $0x431BE2E9, s23  }
0x11a: {  	s14 =	sshrl.u32 s5, $0x1F;
	v10 =	vsel vm11, s10, v10;
	(v2sf) =	vpush v6, $0x2;
	s10 =	spop (v2sf);
	[smem:$0x7C0] =	sst s25  }
0x11b: {  	s2 =	sshra.s32 s2, $0x12;
	v8 =	vsel vm2, s14, v8;
	s26 =	smulhi.u32 $0x431BE2E9, s10;
	s24 =	spop (v2sf)  }
0x11c: {  	v7 =	vcombine.low v8, v7;
	v8 =	vsel vm2, s2, v11;
	(v2sf) =	vpush v6, $0x3;
	s10 =	sshra.s32 s10, $0x1F;
	s2 =	smulhi.u32 $0x431BE2E9, s24;
	s12 =	spop (v2sf)  }
0x11d: {  	s10 =	smul.u32 $0x431BE2E9, s10;
	[smem:$0x7C1] =	sst s26  }
0x11e: {  	s17 =	sshra.s32 s5, $0x12;
	(v2sf) =	vpush v6, $0x4;
	s4 =	smulhi.u32 $0x431BE2E9, s12;
	s14 =	spop (v2sf)  }
0x11f: {  	v60 =	vsel vm2, s17, v12;
	(v2sf) =	vpush v6, $0xC;
	s12 =	sshra.s32 s12, $0x1F;
	[smem:$0x7C2] =	sst s2;
	s16 =	smulhi.u32 $0x431BE2E9, s14  }
0x120: {  	v8 =	vcombine.low v60, v8;
	s29 =	spop (v2sf);
	s12 =	smul.u32 $0x431BE2E9, s12  }
0x121: {  	v10 =	vperm.xlane v10, v2;
	v7 =	vperm.xlane v7, v0;
	s3 =	sshra.s32 s3, $0x1F;
	(v2sf) =	vpush v6, $0x8;
	[dreg:$0x1f] =	wrdreg s4;
	s17 =	smulhi.u32 $0x431BE2E9, s29  }
0x122: {  	v9 =	vperm.xlane v9, v2;
	v8 =	vperm.xlane v8, v0;
	(v2sf) =	vpush v6, $0xD;
	s14 =	sshra.s32 s14, $0x1F;
	s30 =	spop (v2sf);
	s4 =	smul.u32 $0x431BE2E9, s3  }
0x123: {  	(v2sf) =	vpush v6, $0x9;
	s14 =	smul.u32 $0x431BE2E9, s14;
	s25 =	spop (v2sf)  }
0x124: {  	p1 =	slt.u32 s19, $0x6;
	v7 =	vsel vm8, v10, v7;
	v8 =	vsel vm8, v9, v8;
	(v2sf) =	vpush v6, $0x5;
	s5 =	spop (v2sf);
	[dreg:$0x1a] =	wrdreg s4  }
0x125: {  	v7 =	vadd.s32 v7, v8;
	s11 =	sshra.s32 s11, $0x1F;
	(v2sf) =	vpush v6, $0xE;
	s19 =	smulhi.u32 $0x431BE2E9, s30;
	[dreg:$0x14] =	wrdreg s5  }
0x126: {  	v7 =	vmul.u32 $0xF423F, v7;
	(v2sf) =	vpush v6, $0xA;
	s5 =	smul.u32 $0x431BE2E9, s11;
	s26 =	spop (v2sf)  }
0x127: {  	(v2sf) =	vpush v6, $0xF;
	s1 =	sshra.s32 s29, $0x1F;
	[dreg:$0xe] =	wrdreg s26;
	s2 =	spop (v2sf)  }
0x128: {  	v7 =	vsub.s32 v4, v7;
	(v2sf) =	vpush v6, $0xB;
	s29 =	sshra.s32 s30, $0x1F;
	s30 =	smul.u32 $0x431BE2E9, s1;
	[dreg:$0x10] =	wrdreg s2  }
0x129: {  	v4 =	vmovc v6;
	vm9 =	vlt.s32 v7, $0x0;
	(v2sf) =	vpush v6, $0x6;
	v6 =	vadd.s32 $0xF423F, v7;
	s11 =	spop (v2sf);
	s8 =	sadd.s32 s5, s8;
	s5 =	sld [smem:$0x7C2]  }
0x12a: {  	s15 =	smulhi.u32 $0x431BE2E9, s25;
	v6 =	vsel vm9, v6, v7;
	s2 =	sshra.s32 s22, $0x1F;
	[dreg:$0x13] =	wrdreg s11  }
0x12b: {  	s23 =	sshra.s32 s23, $0x1F;
	[tilespmem:s13+$0x0] =	vst v6;
	s13 =	spop (v2sf);
	s4 =	smul.u32 $0x431BE2E9, s2  }
0x12c: {  	s18 =	sshra.s32 s18, $0x1F;
	s2 =	smul.u32 $0x431BE2E9, s23;
	[smem:$0x7C5] =	sst s13  }
0x12d: {  	s21 =	sshra.s32 s21, $0x1F;
	s13 =	smul.u32 $0x431BE2E9, s18;
	s31 =	spop (v2sf)  }
0x12e: {  	s25 =	sshra.s32 s25, $0x1F;
	s18 =	rddreg [dreg:$0x18];
	s26 =	spop (v2sf)  }
0x12f: {  	s18 =	sadd.s32 s0, s18;
	s0 =	smul.u32 $0x431BE2E9, s25;
	s25 =	rddreg [dreg:$0x1c]  }
0x130: {  	s29 =	smul.u32 $0x431BE2E9, s29;
	s17 =	sadd.s32 s30, s17;
	[smem:$0x7C4] =	sst s26  }
0x131: {  	s9 =	sadd.s32 s2, s9;
	s26 =	smul.u32 $0x431BE2E9, s21;
	s11 =	spop (v2sf)  }
0x132: {  	s21 =	sshra.s32 s24, $0x1F;
	s7 =	sadd.s32 s13, s7;
	s13 =	sld [smem:$0x7BF]  }
0x133: {  	s6 =	sadd.s32 s6, s25;
	s25 =	sld [smem:$0x7C0];
	s3 =	spop (v2sf)  }
0x134: {  	s24 =	smul.u32 $0x431BE2E9, s21;
	s0 =	sadd.s32 s0, s15;
	s15 =	sadd.s32 s29, s19  }
0x135: {  	[smem:$0x7C6] =	sst s3;
	s22 =	spop (v2sf);
	s19 =	sshra.s32 s15, $0x12  }
0x136: {  	s3 =	spop (v2sf);
	s13 =	sadd.s32 s26, s13;
	s2 =	sadd.s32 s4, s25  }
0x137: {  	s26 =	sld [smem:$0x7C1];
	s4 =	sadd.s32 s24, s5;
	s5 =	sadd.s32 s14, s16  }
0x138: {  	s25 =	sshra.s32 s0, $0x1F;
	s14 =	sshra.s32 s17, $0x1F;
	s16 =	sshra.s32 s20, $0x12  }
0x139: {  	s23 =	spop (v2sf);
	s24 =	smov.u32 s3;
	s3 =	sshra.s32 s15, $0x1F  }
0x13a: {  	v6 =	vmov s25;
	s15 =	sshrl.u32 s15, $0x1F;
	[smem:$0x7C3] =	sst s23;
	s21 =	spop (v2sf)  }
0x13b: {  	vm9 =	vcmask $0x704;
	v6 =	vsel vm4, s19, v6;
	s19 =	rddreg [dreg:$0x9];
	s23 =	spop (v2sf);
	s10 =	sadd.s32 s10, s26  }
0x13c: {  	s26 =	sshrl.u32 s9, $0x1F;
	s9 =	sshra.s32 s9, $0x12;
	v6 =	vsel vm9, s3, v6;
	s3 =	sshrl.u32 s13, $0x1F  }
0x13d: {  	s13 =	sshra.s32 s13, $0x12;
	s1 =	spop (v2sf);
	s25 =	sshra.s32 s10, $0x12  }
0x13e: {  	v7 =	vmov s26;
	v61 =	vmov s9;
	s26 =	sshra.s32 s17, $0x12;
	s9 =	rddreg [dreg:$0x14];
	s28 =	spop (v2sf)  }
0x13f: {  	s29 =	smov.u32 s1;
	s1 =	sshrl.u32 s10, $0x1F;
	v63 =	vmov s25;
	s25 =	sshra.s32 s5, $0x12  }
0x140: {  	v62 =	vmov s15;
	v6 =	vsel vm0, s26, v6;
	s26 =	sshrl.u32 s6, $0x1F;
	v9 =	vsel vm0, s16, v61;
	s6 =	sshra.s32 s6, $0x12;
	s16 =	sshrl.u32 s17, $0x1F  }
0x141: {  	v10 =	vnsel vm4, $0x0, v62;
	s17 =	sld [smem:$0x7C4];
	s10 =	sshra.s32 s4, $0x12;
	v8 =	vmov s1;
	s1 =	sshrl.u32 s20, $0x1F  }
0x142: {  	v6 =	vsel vm10, s14, v6;
	v11 =	vsel vm0, s13, v63;
	s13 =	sshra.s32 s5, $0x1F;
	s14 =	sshrl.u32 s7, $0x1F;
	v9 =	vsel vm1, s6, v9;
	s5 =	sshrl.u32 s5, $0x1F  }
0x143: {  	v10 =	vsel vm0, s16, v10;
	s6 =	smulhi.u32 $0x431BE2E9, s9;
	v8 =	vsel vm0, s3, v8;
	s3 =	rddreg [dreg:$0x1f];
	v6 =	vsel vm1, s25, v6;
	s25 =	sshra.s32 s7, $0x12  }
0x144: {  	v7 =	vsel vm0, s1, v7;
	s1 =	sshrl.u32 s8, $0x1F;
	v10 =	vsel vm1, s5, v10;
	s5 =	rddreg [dreg:$0x1a];
	s7 =	sshra.s32 s2, $0x1F  }
0x145: {  	s12 =	sadd.s32 s12, s3;
	v6 =	vsel vm12, s13, v6;
	s3 =	sshrl.u32 s18, $0x1F;
	s13 =	sld [smem:$0x7C5]  }
0x146: {  	v7 =	vsel vm1, s26, v7;
	v8 =	vsel vm1, s14, v8;
	v11 =	vsel vm1, s25, v11;
	s14 =	sshra.s32 s8, $0x12;
	s25 =	sshra.s32 s18, $0x12;
	s15 =	sshra.s32 s12, $0x12  }
0x147: {  	s26 =	sshra.s32 s12, $0x1F;
	v7 =	vsel vm2, s1, v7;
	v8 =	vsel vm2, s3, v8;
	s16 =	sshrl.u32 s12, $0x1F;
	s3 =	rddreg [dreg:$0xd];
	v6 =	vsel vm2, s15, v6  }
0x148: {  	v9 =	vsel vm2, s14, v9;
	s12 =	sshra.s32 s9, $0x1F;
	s15 =	sshra.s32 s4, $0x1F;
	v10 =	vsel vm2, s16, v10;
	s4 =	sshrl.u32 s4, $0x1F;
	v6 =	vsel vm13, s26, v6  }
0x149: {  	s3 =	sadd.s32 s5, s3;
	v7 =	vcombine.low v8, v7;
	s26 =	sshra.s32 s2, $0x12;
	v8 =	vsel vm5, s4, v10;
	s2 =	sshrl.u32 s2, $0x1F;
	v6 =	vsel vm5, s10, v6  }
0x14a: {  	v11 =	vsel vm2, s25, v11;
	s25 =	sshrl.u32 s0, $0x1F;
	s14 =	sshrl.u32 s3, $0x1F;
	v8 =	vsel vm6, s2, v8;
	s2 =	rddreg [dreg:$0x10];
	v6 =	vsel vm14, s15, v6  }
0x14b: {  	s8 =	sshra.s32 s3, $0x12;
	s15 =	smul.u32 $0x431BE2E9, s12;
	v8 =	vsel vm7, s14, v8;
	s14 =	rddreg [dreg:$0x13];
	v6 =	vsel vm6, s26, v6  }
0x14c: {  	s26 =	rddreg [dreg:$0xe];
	s12 =	sshra.s32 s14, $0x1F;
	s14 =	smulhi.u32 $0x431BE2E9, s14;
	v6 =	vsel vm15, s7, v6  }
0x14d: {  	v9 =	vcombine.low v11, v9;
	s3 =	sshra.s32 s3, $0x1F;
	s10 =	sshra.s32 s2, $0x1F;
	v8 =	vsel vm11, s25, v8;
	s25 =	smulhi.u32 $0x431BE2E9, s26;
	v6 =	vsel vm7, s8, v6  }
0x14e: {  	s0 =	sshra.s32 s0, $0x12;
	s1 =	sshra.s32 s26, $0x1F;
	s26 =	smul.u32 $0x431BE2E9, s10;
	v6 =	vsel vm3, s3, v6  }
0x14f: {  	s30 =	smov.u32 s11;
	s20 =	sld [smem:$0x7C3];
	v7 =	vperm.xlane v7, v0;
	v9 =	vperm.xlane v9, v0;
	s12 =	smul.u32 $0x431BE2E9, s12;
	v6 =	vsel vm11, s0, v6  }
0x150: {  	s18 =	sld [smem:$0x7C6];
	s5 =	sshra.s32 s31, $0x1F;
	v8 =	vperm.xlane v8, v2;
	s16 =	smul.u32 $0x431BE2E9, s1;
	v6 =	vperm.xlane v6, v2  }
0x151: {  	s4 =	sshra.s32 s11, $0x1F;
	s7 =	sshra.s32 s13, $0x1F;
	s1 =	smulhi.u32 $0x431BE2E9, s2  }
.Ltmp0:
0x152: {  	s8 =	sadd.s32 s15, s6;
	s3 =	sshra.s32 s17, $0x1F;
	v7 =	vsel vm8, v8, v7;
	v6 =	vsel vm8, v6, v9;
	(pc) =	sbr.rel @p1 .LBB2_2-.Ltmp0, $4  }
0x153: {  	s15 =	sshra.s32 s8, $0x1F;
	s0 =	sshra.s32 s18, $0x1F;
	s9 =	sadd.s32 s16, s25;
	v6 =	vadd.s32 v7, v6  }
0x154: {  	s2 =	sadd.s32 s26, s1;
	s26 =	rddreg [dreg:$0x8];
	s10 =	sshra.s32 s9, $0x12;
	v7 =	vmov s15;
	v6 =	vmul.u32 $0xF423F, v6  }
0x155: {  	s25 =	rddreg [dreg:$0xa];
	s16 =	sshra.s32 s9, $0x1F;
	v7 =	vsel vm4, s10, v7;
	s10 =	sadd.s32 $0x20, s26  }
0x156: {  	s11 =	sshra.s32 s2, $0x12;
	s1 =	sshra.s32 s2, $0x1F;
	s6 =	sadd.s32 $0x20, s25;
	v7 =	vsel vm9, s16, v7;
	v5 =	vsub.s32 v5, v6;
	v6 =	vor.u32 s10, v1  }
0x157: {  	s6 =	smul.u32 $0x431BE2E9, s7  }
0x158: {  	s25 =	smulhi.u32 $0x431BE2E9, s13  }
0x159: {  	s5 =	smul.u32 $0x431BE2E9, s5  }
0x15a: {  	s10 =	smulhi.u32 $0x431BE2E9, s31  }
0x15b: {  	s3 =	smul.u32 $0x431BE2E9, s3  }
0x15c: {  	s4 =	smul.u32 $0x431BE2E9, s4  }
0x15d: {  	s26 =	smulhi.u32 $0x431BE2E9, s17  }
0x15e: {  	s15 =	smulhi.u32 $0x431BE2E9, s30  }
0x15f: {  	s16 =	sshra.s32 s22, $0x1F;
	s17 =	smul.u32 $0x431BE2E9, s0  }
0x160: {  	s12 =	sadd.s32 s12, s14;
	s19 =	sshra.s32 s24, $0x1F;
	s14 =	smul.u32 $0x431BE2E9, s16  }
0x161: {  	s9 =	sshrl.u32 s9, $0x1F;
	s2 =	sshrl.u32 s2, $0x1F;
	s7 =	smul.u32 $0x431BE2E9, s19  }
0x162: {  	v7 =	vsel vm0, s11, v7;
	s16 =	sshra.s32 s12, $0x12;
	s19 =	sshra.s32 s21, $0x1F;
	s21 =	smulhi.u32 $0x431BE2E9, s21  }
0x163: {  	v7 =	vsel vm10, s1, v7;
	s1 =	sshrl.u32 s12, $0x1F;
	s6 =	sadd.s32 s6, s25;
	s25 =	smulhi.u32 $0x431BE2E9, s18  }
0x164: {  	s0 =	sadd.s32 s5, s10;
	s3 =	sadd.s32 s3, s26;
	s26 =	smulhi.u32 $0x431BE2E9, s22  }
0x165: {  	s10 =	sshra.s32 s12, $0x1F;
	s4 =	sadd.s32 s4, s15;
	s15 =	smulhi.u32 $0x431BE2E9, s24  }
0x166: {  	vm15 =	vcmask $0x1714;
	s22 =	sshra.s32 s20, $0x1F;
	s20 =	smulhi.u32 $0x431BE2E9, s20;
	v7 =	vsel vm1, s16, v7;
	s18 =	sshra.s32 s6, $0x12  }
0x167: {  	s24 =	sshrl.u32 s3, $0x1F;
	s3 =	sshra.s32 s3, $0x12;
	v7 =	vsel vm15, s10, v7;
	s10 =	smulhi.u32 $0x431BE2E9, s23  }
0x168: {  	s5 =	sadd.s32 s17, s25;
	s17 =	smul.u32 $0x431BE2E9, s22;
	s13 =	sadd.s32 s14, s26  }
0x169: {  	v8 =	vmov s9;
	s14 =	smul.u32 $0x431BE2E9, s19;
	s19 =	sshra.s32 s6, $0x1F;
	s25 =	sshra.s32 s23, $0x1F  }
0x16a: {  	v8 =	vnsel vm4, $0x0, v8;
	s26 =	sshra.s32 s29, $0x1F;
	s22 =	sshra.s32 s0, $0x12;
	v7 =	vsel vm2, s18, v7;
	s18 =	smulhi.u32 $0x431BE2E9, s29  }
0x16b: {  	v8 =	vsel vm0, s2, v8;
	s23 =	sshra.s32 s28, $0x1F;
	s6 =	sshrl.u32 s6, $0x1F;
	s11 =	smul.u32 $0x431BE2E9, s25  }
0x16c: {  	vm3 =	vcmask $0x1F1C;
	s7 =	sadd.s32 s7, s15;
	v8 =	vsel vm1, s1, v8;
	s16 =	smul.u32 $0x431BE2E9, s26;
	s25 =	sshrl.u32 s4, $0x1F  }
0x16d: {  	vm13 =	vcmask $0x2724;
	v9 =	vmov s24;
	s26 =	sshrl.u32 s5, $0x1F;
	s24 =	smul.u32 $0x431BE2E9, s23;
	v8 =	vsel vm2, s6, v8;
	s6 =	sshra.s32 s7, $0x1F  }
0x16e: {  	vm14 =	vcmask $0x2F2C;
	vm12 =	vcmask $0x3734;
	s9 =	sadd.s32 s17, s20;
	v10 =	vmov s25;
	s25 =	sshrl.u32 s13, $0x1F;
	s14 =	sadd.s32 s14, s21  }
0x16f: {  	v11 =	vmov s3;
	v7 =	vsel vm3, s19, v7;
	v9 =	vsel vm0, s26, v9;
	s21 =	sshra.s32 s5, $0x12;
	s20 =	sshrl.u32 s9, $0x1F;
	s26 =	sshrl.u32 s14, $0x1F  }
0x170: {  	v7 =	vsel vm5, s22, v7;
	v10 =	vsel vm0, s25, v10;
	s10 =	sadd.s32 s11, s10;
	s11 =	sadd.s32 s16, s18;
	v11 =	vsel vm0, s21, v11;
	s9 =	sshra.s32 s9, $0x12  }
0x171: {  	v9 =	vsel vm1, s20, v9;
	v10 =	vsel vm1, s26, v10;
	s18 =	sshrl.u32 s10, $0x1F;
	s19 =	sshrl.u32 s11, $0x1F;
	s20 =	sshra.s32 s0, $0x1F;
	v11 =	vsel vm1, s9, v11  }
0x172: {  	s17 =	sshra.s32 s4, $0x12;
	s0 =	sshrl.u32 s0, $0x1F;
	s26 =	smulhi.u32 $0x431BE2E9, s28;
	v9 =	vsel vm2, s18, v9;
	v10 =	vsel vm2, s19, v10;
	v7 =	vsel vm13, s20, v7  }
0x173: {  	s22 =	sshra.s32 s13, $0x12;
	s25 =	sshra.s32 s7, $0x12;
	s15 =	sshra.s32 s10, $0x12;
	v8 =	vsel vm5, s0, v8;
	v9 =	vcombine.low v10, v9;
	v10 =	vmov s17  }
0x174: {  	s12 =	sshrl.u32 s7, $0x1F;
	s13 =	sshra.s32 s14, $0x12;
	v11 =	vsel vm2, s15, v11;
	v7 =	vsel vm6, s25, v7;
	s14 =	sadd.s32 s24, s26;
	v10 =	vsel vm0, s22, v10  }
0x175: {  	s16 =	sshra.s32 s11, $0x12;
	v8 =	vsel vm6, s12, v8;
	v7 =	vsel vm14, s6, v7;
	s17 =	sshra.s32 s14, $0x12;
	s18 =	sshrl.u32 s14, $0x1F;
	v10 =	vsel vm1, s13, v10  }
0x176: {  	s19 =	sshrl.u32 s8, $0x1F;
	s20 =	sshra.s32 s14, $0x1F;
	v7 =	vsel vm7, s17, v7;
	v8 =	vsel vm7, s18, v8;
	v10 =	vsel vm2, s16, v10  }
0x177: {  	s21 =	sshra.s32 s8, $0x12;
	v8 =	vsel vm11, s19, v8;
	v7 =	vsel vm12, s20, v7;
	v10 =	vcombine.low v10, v11  }
0x178: {  	v9 =	vperm.xlane v9, v0;
	v8 =	vperm.xlane v8, v2;
	v7 =	vsel vm11, s21, v7  }
0x179: {  	v7 =	vperm.xlane v7, v2;
	v10 =	vperm.xlane v10, v0;
	_ =	sdelay $0x1  }
0x17a: {  	v8 =	vsel vm8, v8, v9;
	v7 =	vsel vm8, v7, v10  }
0x17b: {  	v7 =	vadd.s32 v8, v7  }
0x17c: {  	v7 =	vmul.u32 $0xF423F, v7  }
0x17d: {  	vm9 =	vlt.s32 v5, $0x0;
	v6 =	vand.u32 $0x1C6F, v6;
	v8 =	vadd.s32 $0xF423F, v5  }
0x17e: {  	s22 =	rddreg [dreg:$0x6];
	v5 =	vsel vm9, v8, v5;
	vm9 =	veq.s32 v6, $0x0;
	v4 =	vsub.s32 v4, v7  }
0x17f: {  	s0 =	sadd.s32 $0x20, s22;
	v5 =	vsel vm9, $0xF423F, v5;
	vm9 =	vlt.s32 v4, $0x0;
	v6 =	vadd.s32 $0xF423F, v4  }
0x180: {  	s2 =	simm.s32 $0x98;
	s23 =	simm.s32 $0x80;
	[tilespmem:s0+$0xFFFFFFF0] =	vst v5;
	v4 =	vsel vm9, v6, v4  }
0x181: {  	s24 =	rddreg [dreg:$0x1];
	s25 =	simm.s32 $0x480;
	s26 =	simm.s32 $0x880;
	[tilespmem:s0+$0x0] =	vst v4  }
0x182: {  	[tilespmem:s26], [sflag:$0x1] =	stream.indirect.gather [hbm4b:s24+s23], $0x80, s25, s23, $0xb8;
	[tilespmem:$0x1C900] =	vst v63  }
0x183: {  	v4 =	vld [tilespmem:s2+$0xFFFFFFEF]  }
0x184: {  	v5 =	vld [tilespmem:s2+$0xFFFFFFF0];
	_ =	sdelay $0x4  }
0x185: {  	v5 =	vmul.u32 $0x8DD9, v5;
	v4 =	vmul.u32 $0x6A37, v4;
	_ =	sdelay $0x1  }
0x186: {  	v5 =	vxor.u32 v4, v5  }
0x187: {  	(v2sf) =	vpush v5, $0xF  }
0x188: {  	(v2sf) =	vpush v5, $0xB;
	_ =	sdelay $0x1  }
0x189: {  	(v2sf) =	vpush v5, $0x6;
	_ =	sdelay $0x1  }
0x18a: {  	(v2sf) =	vpush v5, $0xE  }
0x18b: {  	(v2sf) =	vpush v5, $0xA;
	_ =	sdelay $0x1  }
0x18c: {  	(v2sf) =	vpush v5, $0xD;
	_ =	sdelay $0x1  }
0x18d: {  	(v2sf) =	vpush v5, $0x9;
	_ =	sdelay $0x1  }
0x18e: {  	(v2sf) =	vpush v5, $0x5;
	_ =	sdelay $0x1  }
0x18f: {  	(v2sf) =	vpush v5, $0xC  }
0x190: {  	(v2sf) =	vpush v5, $0x8;
	s4 =	spop (v2sf)  }
0x191: {  	v6 =	vld [tilespmem:s2+$0x0];
	s3 =	smulhi.u32 $0x431BE2E9, s4;
	s7 =	spop (v2sf)  }
0x192: {  	v4 =	vld [tilespmem:s2+$0xFFFFFFFF];
	s2 =	sshra.s32 s4, $0x1F;
	s5 =	smulhi.u32 $0x431BE2E9, s7  }
0x193: {  	(v2sf) =	vpush v5, $0x4;
	s0 =	spop (v2sf);
	s2 =	smul.u32 $0x431BE2E9, s2  }
0x194: {  	(v2sf) =	vpush v5, $0x3;
	s4 =	sshra.s32 s7, $0x1F;
	s9 =	smulhi.u32 $0x431BE2E9, s0  }
0x195: {  	s10 =	spop (v2sf);
	s4 =	smul.u32 $0x431BE2E9, s4  }
0x196: {  	s8 =	smulhi.u32 $0x431BE2E9, s10;
	s12 =	spop (v2sf)  }
0x197: {  	s7 =	sshra.s32 s10, $0x1F;
	s11 =	smulhi.u32 $0x431BE2E9, s12  }
0x198: {  	(v2sf) =	vpush v5, $0x2;
	s25 =	spop (v2sf);
	s24 =	smul.u32 $0x431BE2E9, s7  }
0x199: {  	(v2sf) =	vpush v5, $0x1;
	s26 =	sshra.s32 s12, $0x1F;
	s13 =	smulhi.u32 $0x431BE2E9, s25  }
0x19a: {  	s14 =	spop (v2sf);
	s12 =	smul.u32 $0x431BE2E9, s26  }
0x19b: {  	[smem:$0x7BB] =	sst s9;
	s9 =	sshra.s32 s25, $0x1F;
	s16 =	smulhi.u32 $0x431BE2E9, s14  }
0x19c: {  	(v2sf) =	vpush v5, $0x0;
	s17 =	spop (v2sf);
	s26 =	smul.u32 $0x431BE2E9, s9  }
0x19d: {  	(v2sf) =	vpush v5, $0x7;
	s14 =	sshra.s32 s14, $0x1F;
	s18 =	smulhi.u32 $0x431BE2E9, s17  }
0x19e: {  	v6 =	vmul.u32 $0x8DD9, v6;
	v4 =	vmul.u32 $0x6A37, v4;
	s10 =	sadd.s32 s2, s3;
	s15 =	spop (v2sf);
	s2 =	smul.u32 $0x431BE2E9, s14  }
0x19f: {  	s19 =	smulhi.u32 $0x431BE2E9, s15;
	s20 =	spop (v2sf)  }
0x1a0: {  	v4 =	vxor.u32 v4, v6;
	s9 =	sshra.s32 s15, $0x1F;
	s21 =	smulhi.u32 $0x431BE2E9, s20  }
0x1a1: {  	(v2sf) =	vpush v4, $0x7;
	s14 =	sadd.s32 s26, s13;
	s13 =	sshra.s32 s17, $0x1F;
	s3 =	smul.u32 $0x431BE2E9, s9  }
0x1a2: {  	s7 =	sadd.s32 s4, s5;
	s22 =	spop (v2sf);
	s5 =	smul.u32 $0x431BE2E9, s13  }
0x1a3: {  	s9 =	sshra.s32 s20, $0x1F;
	s23 =	smulhi.u32 $0x431BE2E9, s22;
	s6 =	spop (v2sf);
	(v2sf) =	vpush v4, $0x0  }
0x1a4: {  	s0 =	sshra.s32 s0, $0x1F;
	s4 =	sadd.s32 s12, s11;
	s11 =	smul.u32 $0x431BE2E9, s9  }
0x1a5: {  	s9 =	smul.u32 $0x431BE2E9, s0;
	(v2sf) =	vpush v4, $0x1  }
0x1a6: {  	s13 =	sshra.s32 s22, $0x1F;
	s1 =	smulhi.u32 $0x431BE2E9, s6;
	(v2sf) =	vpush v4, $0x2  }
0x1a7: {  	s15 =	sadd.s32 s24, s8;
	s20 =	smul.u32 $0x431BE2E9, s13;
	(v2sf) =	vpush v4, $0x3;
	s25 =	spop (v2sf)  }
0x1a8: {  	s16 =	sadd.s32 s2, s16;
	s28 =	smulhi.u32 $0x431BE2E9, s25;
	s29 =	spop (v2sf)  }
0x1a9: {  	s31 =	sadd.s32 s5, s18;
	s2 =	sshra.s32 s25, $0x1F;
	s30 =	smulhi.u32 $0x431BE2E9, s29  }
0x1aa: {  	s18 =	sadd.s32 s11, s21;
	(v2sf) =	vpush v4, $0x4;
	s25 =	sshra.s32 s6, $0x1F;
	s21 =	smul.u32 $0x431BE2E9, s2  }
0x1ab: {  	s19 =	sadd.s32 s3, s19;
	s26 =	spop (v2sf);
	s2 =	smul.u32 $0x431BE2E9, s25  }
0x1ac: {  	s8 =	sadd.s32 s20, s23;
	(v2sf) =	vpush v4, $0xC;
	s17 =	smulhi.u32 $0x431BE2E9, s26;
	s24 =	spop (v2sf)  }
0x1ad: {  	s6 =	sshrl.u32 s19, $0x1F;
	(v2sf) =	vpush v4, $0x8;
	s12 =	smulhi.u32 $0x431BE2E9, s24;
	s22 =	sshra.s32 s24, $0x1F  }
0x1ae: {  	s25 =	sshra.s32 s19, $0x12;
	(v2sf) =	vpush v4, $0xD;
	s26 =	sshra.s32 s26, $0x1F;
	s24 =	smul.u32 $0x431BE2E9, s22  }
0x1af: {  	v9 =	vmov s25;
	s25 =	sshrl.u32 s15, $0x1F;
	s15 =	sshra.s32 s15, $0x12;
	(v2sf) =	vpush v4, $0x9;
	s11 =	smul.u32 $0x431BE2E9, s26  }
0x1b0: {  	s5 =	spop (v2sf);
	s12 =	sadd.s32 s24, s12;
	s24 =	sshra.s32 s29, $0x1F  }
0x1b1: {  	s1 =	sadd.s32 s2, s1;
	(v2sf) =	vpush v4, $0x5;
	s17 =	sadd.s32 s11, s17;
	s20 =	smul.u32 $0x431BE2E9, s24  }
0x1b2: {  	s22 =	sshra.s32 s17, $0x1F;
	s29 =	sshrl.u32 s16, $0x1F;
	s3 =	spop (v2sf)  }
0x1b3: {  	(v2sf) =	vpush v4, $0xE;
	s24 =	sadd.s32 s20, s30;
	s20 =	sshrl.u32 s18, $0x1F;
	s18 =	sshra.s32 s18, $0x12  }
0x1b4: {  	s16 =	sshra.s32 s16, $0x12;
	s0 =	sshra.s32 s12, $0x1F;
	s13 =	spop (v2sf);
	v11 =	vmov s18  }
0x1b5: {  	(v2sf) =	vpush v4, $0xA;
	s19 =	sshra.s32 s24, $0x12;
	s23 =	spop (v2sf);
	v11 =	vsel vm0, s16, v11;
	s16 =	sshra.s32 s1, $0x1F  }
0x1b6: {  	[smem:$0x7BC] =	sst s23;
	s26 =	spop (v2sf);
	s23 =	sadd.s32 s21, s28  }
0x1b7: {  	s28 =	sshrl.u32 s14, $0x1F;
	s14 =	sshra.s32 s14, $0x12;
	s21 =	sshra.s32 s24, $0x1F  }
0x1b8: {  	vm9 =	vcmask $0x704;
	v6 =	vmov s0;
	(v2sf) =	vpush v4, $0xF;
	[smem:$0x7BD] =	sst s26;
	s26 =	sshra.s32 s17, $0x12;
	s17 =	sshrl.u32 s17, $0x1F  }
0x1b9: {  	v8 =	vmov s20;
	v9 =	vsel vm0, s14, v9;
	s14 =	sshra.s32 s31, $0x12;
	s2 =	spop (v2sf);
	v10 =	vmov s17;
	s17 =	sshrl.u32 s24, $0x1F  }
0x1ba: {  	(v2sf) =	vpush v4, $0xB;
	v8 =	vsel vm0, s29, v8;
	v6 =	vsel vm4, s26, v6;
	s24 =	sshra.s32 s23, $0x1F;
	s26 =	sshrl.u32 s4, $0x1F;
	s4 =	sshra.s32 s4, $0x12  }
0x1bb: {  	v9 =	vsel vm1, s15, v9;
	s15 =	sld [smem:$0x7BB];
	s11 =	spop (v2sf);
	v6 =	vsel vm9, s22, v6;
	v8 =	vsel vm1, s26, v8;
	s26 =	sshrl.u32 s7, $0x1F  }
0x1bc: {  	(v2sf) =	vpush v4, $0x6;
	s22 =	sshra.s32 s23, $0x12;
	s0 =	spop (v2sf);
	v6 =	vsel vm0, s19, v6;
	v8 =	vsel vm2, s26, v8;
	s26 =	sshrl.u32 s31, $0x1F  }
0x1bd: {  	v7 =	vmov s6;
	s6 =	spop (v2sf);
	v6 =	vsel vm10, s21, v6;
	s18 =	smov.u32 s0;
	s0 =	sshra.s32 s1, $0x12  }
0x1be: {  	v10 =	vnsel vm4, $0x0, v10;
	s1 =	sshrl.u32 s1, $0x1F;
	s20 =	spop (v2sf);
	v6 =	vsel vm1, s22, v6;
	s22 =	sshrl.u32 s10, $0x1F  }
0x1bf: {  	v7 =	vsel vm0, s28, v7;
	v10 =	vsel vm0, s17, v10;
	s17 =	smov.u32 s6;
	s10 =	sshra.s32 s10, $0x12;
	s6 =	sshra.s32 s8, $0x1F  }
0x1c0: {  	v7 =	vsel vm1, s25, v7;
	s30 =	spop (v2sf);
	v6 =	vsel vm15, s24, v6;
	s24 =	sshrl.u32 s23, $0x1F;
	s23 =	simm.s32 $0x80  }
0x1c1: {  	v7 =	vsel vm2, s22, v7;
	v9 =	vsel vm2, s10, v9;
	s22 =	sadd.s32 s9, s15;
	s10 =	sshrl.u32 s12, $0x1F;
	s15 =	sshra.s32 s3, $0x1F;
	v6 =	vsel vm2, s0, v6  }
0x1c2: {  	s3 =	smulhi.u32 $0x431BE2E9, s3;
	s19 =	spop (v2sf);
	s0 =	sshra.s32 s8, $0x12;
	v6 =	vsel vm3, s16, v6  }
0x1c3: {  	v10 =	vsel vm1, s24, v10;
	s8 =	sshrl.u32 s8, $0x1F;
	s24 =	sshra.s32 s31, $0x1F;
	s31 =	smov.u32 s2;
	v6 =	vsel vm5, s0, v6  }
0x1c4: {  	v11 =	vsel vm1, s4, v11;
	s9 =	sshrl.u32 s22, $0x1F;
	s21 =	spop (v2sf);
	s16 =	smov.u32 s11;
	v6 =	vsel vm13, s6, v6  }
0x1c5: {  	v7 =	vcombine.low v8, v7;
	s11 =	sshra.s32 s7, $0x12;
	v10 =	vsel vm2, s1, v10;
	s1 =	sshra.s32 s22, $0x1F;
	s7 =	sshra.s32 s18, $0x1F;
	v6 =	vsel vm6, s14, v6  }
0x1c6: {  	v11 =	vsel vm2, s11, v11;
	v8 =	vsel vm5, s8, v10;
	s0 =	sshra.s32 s22, $0x12;
	s22 =	smulhi.u32 $0x431BE2E9, s5;
	s6 =	sshra.s32 s5, $0x1F;
	v6 =	vsel vm14, s24, v6  }
0x1c7: {  	s8 =	sshra.s32 s2, $0x1F;
	v8 =	vsel vm6, s26, v8;
	v9 =	vcombine.low v11, v9;
	s26 =	sshra.s32 s13, $0x1F;
	s4 =	smul.u32 $0x431BE2E9, s6;
	v6 =	vsel vm7, s0, v6  }
0x1c8: {  	v7 =	vperm.xlane v7, v0;
	s28 =	spop (v2sf);
	v8 =	vsel vm7, s9, v8;
	s14 =	sshra.s32 s12, $0x12;
	s2 =	smul.u32 $0x431BE2E9, s26;
	v6 =	vsel vm12, s1, v6  }
0x1c9: {  	s11 =	simm.s32 $0x8;
	s25 =	spop (v2sf);
	v8 =	vsel vm11, s10, v8;
	v9 =	vperm.xlane v9, v0;
	s24 =	smul.u32 $0x431BE2E9, s15;
	v6 =	vsel vm11, s14, v6  }
0x1ca: {  	s5 =	sshra.s32 s16, $0x1F;
	s15 =	smulhi.u32 $0x431BE2E9, s13;
	v8 =	vperm.xlane v8, v2;
	s0 =	sld [smem:$0x7BD];
	v6 =	vperm.xlane v6, v2  }
0x1cb: {  	s26 =	sadd.s32 s4, s22;
	s29 =	spop (v2sf);
	s14 =	sld [smem:$0x7BC]  }
0x1cc: {  	s9 =	sshra.s32 s26, $0x1F;
	s4 =	sadd.s32 s24, s3;
	s3 =	sshra.s32 s17, $0x1F;
	v7 =	vsel vm8, v8, v7;
	v6 =	vsel vm8, v6, v9  }
0x1cd: {  	s2 =	sadd.s32 s2, s15;
	s24 =	rddreg [dreg:$0x5];
	s1 =	sshra.s32 s4, $0x12;
	v6 =	vadd.s32 v7, v6  }
0x1ce: {  	s22 =	sshra.s32 s4, $0x1F;
	s12 =	sshra.s32 s2, $0x12;
	s10 =	sshra.s32 s14, $0x1F;
	v7 =	vmov s9;
	v6 =	vmul.u32 $0xF423F, v6  }
0x1cf: {  	s6 =	sshra.s32 s0, $0x1F;
	s13 =	smul.u32 $0x431BE2E9, s10;
	v7 =	vsel vm4, s1, v7;
	s1 =	sadd.s32 $0x80, s24  }
0x1d0: {  	s9 =	sshra.s32 s2, $0x1F;
	s24 =	simm.s32 $0xB8;
	v9 =	vor.u32 s1, v1;
	s1 =	smulhi.u32 $0x431BE2E9, s14;
	v8 =	vsel vm9, s22, v7;
	v5 =	vsub.s32 v5, v6  }
0x1d1: {  	s14 =	smul.u32 $0x431BE2E9, s6;
	s6 =	smov.u32 s0;
	s0 =	sand.u32 $0x380, s23;
	v7 =	vand.u32 $0x1FEF, v9;
	vm9 =	vlt.s32 v5, $0x0;
	v6 =	vadd.s32 $0xF423F, v5  }
.LBB2_4:
0x1d2: {  	s6 =	smulhi.u32 $0x431BE2E9, s6  }
0x1d3: {  	s8 =	smul.u32 $0x431BE2E9, s8  }
0x1d4: {  	[dreg:$0xb] =	wrdreg s23;
	v9 =	vld [tilespmem:s24+$0xFFFFFFEF];
	s5 =	smul.u32 $0x431BE2E9, s5  }
0x1d5: {  	v5 =	vsel vm9, v6, v5;
	vm9 =	veq.s32 v7, $0x0;
	s15 =	sand.u32 $0x60, s23;
	s10 =	sadd.s32 $0x480, s0;
	v6 =	vsel vm0, s12, v8;
	v7 =	vld [tilespmem:s24+$0xFFFFFFF0];
	s7 =	smul.u32 $0x431BE2E9, s7  }
0x1d6: {  	s4 =	sshrl.u32 s4, $0x1F;
	s12 =	sshra.s32 s20, $0x1F;
	v6 =	vsel vm10, s9, v6;
	s9 =	smulhi.u32 $0x431BE2E9, s16  }
0x1d7: {  	s11 =	sadd.s32 $0x2, s11;
	s1 =	sadd.s32 s13, s1;
	s16 =	smul.u32 $0x431BE2E9, s3  }
0x1d8: {  	v5 =	vsel vm9, $0xF423F, v5;
	s0 =	sor.u32 s15, s10;
	s12 =	smul.u32 $0x431BE2E9, s12;
	s22 =	sshra.s32 s1, $0x12  }
0x1d9: {  	vm12 =	vcmask $0x1714;
	v10 =	vmov s4;
	s3 =	sshra.s32 s29, $0x1F;
	[tilespmem:s0+$0x0] =	vst v5;
	s13 =	sshra.s32 s1, $0x1F;
	s4 =	sadd.s32 s14, s6;
	v5 =	vsel vm1, s22, v6  }
0x1da: {  	[dreg:$0x7] =	wrdreg s11;
	s14 =	smulhi.u32 $0x431BE2E9, s31;
	s15 =	sshra.s32 s4, $0x12;
	v5 =	vsel vm12, s13, v5;
	v7 =	vmul.u32 $0x8DD9, v7;
	v9 =	vmul.u32 $0x6A37, v9  }
0x1db: {  	vm13 =	vcmask $0x1F1C;
	s6 =	sshra.s32 s30, $0x1F;
	s3 =	smul.u32 $0x431BE2E9, s3;
	s22 =	sshra.s32 s4, $0x1F;
	v5 =	vsel vm2, s15, v5  }
0x1dc: {  	s5 =	sadd.s32 s5, s9;
	s9 =	sshra.s32 s28, $0x1F;
	s6 =	smul.u32 $0x431BE2E9, s6;
	v11 =	vsel vm13, s22, v5;
	v5 =	vxor.u32 v9, v7  }
0x1dd: {  	p1 =	slt.u32 s11, $0x3E;
	s1 =	sshrl.u32 s1, $0x1F;
	s9 =	smul.u32 $0x431BE2E9, s9;
	(v2sf) =	vpush v5, $0xF  }
0x1de: {  	v8 =	vld [tilespmem:s24+$0xFFFFFFFF];
	s0 =	sadd.s32 s8, s14;
	s13 =	sshra.s32 s19, $0x1F;
	s15 =	smulhi.u32 $0x431BE2E9, s18;
	(v2sf) =	vpush v5, $0xB  }
0x1df: {  	v10 =	vnsel vm4, $0x0, v10;
	v6 =	vld [tilespmem:s24+$0x0];
	s14 =	sshra.s32 s21, $0x1F;
	s18 =	sshrl.u32 s2, $0x1F;
	s13 =	smul.u32 $0x431BE2E9, s13;
	(v2sf) =	vpush v5, $0x6  }
0x1e0: {  	s2 =	sshra.s32 s25, $0x1F;
	s22 =	sshra.s32 s0, $0x12;
	v9 =	vsel vm0, s18, v10;
	s18 =	smulhi.u32 $0x431BE2E9, s17  }
0x1e1: {  	vm14 =	vcmask $0x2724;
	v7 =	vsel vm5, s22, v11;
	s7 =	sadd.s32 s7, s15;
	s17 =	smulhi.u32 $0x431BE2E9, s20;
	s20 =	sshra.s32 s0, $0x1F;
	(v2sf) =	vpush v5, $0xE  }
0x1e2: {  	s15 =	sshrl.u32 s5, $0x1F;
	s22 =	sshrl.u32 s7, $0x1F;
	v7 =	vsel vm14, s20, v7;
	s20 =	smulhi.u32 $0x431BE2E9, s21  }
0x1e3: {  	s8 =	sshra.s32 s7, $0x12;
	s7 =	sadd.s32 s16, s18;
	s18 =	smulhi.u32 $0x431BE2E9, s30;
	(v2sf) =	vpush v5, $0xA  }
0x1e4: {  	v8 =	vmul.u32 $0x6A37, v8;
	s5 =	sshra.s32 s5, $0x12;
	s0 =	sshrl.u32 s0, $0x1F;
	v6 =	vmul.u32 $0x8DD9, v6;
	s16 =	smul.u32 $0x431BE2E9, s14  }
0x1e5: {  	v10 =	vmov s22;
	s12 =	sadd.s32 s12, s17;
	s17 =	smulhi.u32 $0x431BE2E9, s19;
	s22 =	sshrl.u32 s7, $0x1F;
	(v2sf) =	vpush v5, $0xD  }
0x1e6: {  	v6 =	vxor.u32 v8, v6;
	v8 =	vmov s15;
	s15 =	sshrl.u32 s12, $0x1F;
	s19 =	sshra.s32 s7, $0x12;
	s21 =	sshra.s32 s12, $0x12  }
0x1e7: {  	v12 =	vmov s8;
	s6 =	sadd.s32 s6, s18;
	s8 =	sadd.s32 s13, s17;
	s13 =	smul.u32 $0x431BE2E9, s2  }
0x1e8: {  	v11 =	vmov s5;
	s18 =	sshrl.u32 s4, $0x1F;
	s12 =	sadd.s32 s16, s20;
	s16 =	smulhi.u32 $0x431BE2E9, s28;
	(v2sf) =	vpush v5, $0x9  }
0x1e9: {  	v8 =	vsel vm0, s22, v8;
	v11 =	vsel vm0, s19, v11;
	s19 =	smulhi.u32 $0x431BE2E9, s25;
	s2 =	sshrl.u32 s26, $0x1F;
	s22 =	sshra.s32 s6, $0x12;
	(v2sf) =	vpush v5, $0x5  }
0x1ea: {  	v9 =	vsel vm1, s1, v9;
	v10 =	vsel vm0, s15, v10;
	s4 =	sshrl.u32 s8, $0x1F;
	s14 =	sshrl.u32 s12, $0x1F;
	s15 =	sshra.s32 s8, $0x12;
	(v2sf) =	vpush v5, $0xC  }
0x1eb: {  	v12 =	vsel vm0, s21, v12;
	v9 =	vsel vm2, s18, v9;
	s17 =	sshra.s32 s12, $0x12;
	s18 =	sshra.s32 s6, $0x1F;
	s20 =	sshrl.u32 s6, $0x1F;
	(v2sf) =	vpush v5, $0x8  }
0x1ec: {  	v7 =	vsel vm6, s22, v7;
	v12 =	vsel vm1, s17, v12;
	s21 =	sadd.s32 s9, s16;
	s22 =	smulhi.u32 $0x431BE2E9, s29;
	s17 =	spop (v2sf)  }
0x1ed: {  	v8 =	vsel vm1, s4, v8;
	s7 =	sshrl.u32 s21, $0x1F;
	(v2sf) =	vpush v5, $0x4;
	s25 =	smulhi.u32 $0x431BE2E9, s17;
	s1 =	spop (v2sf)  }
0x1ee: {  	s8 =	sadd.s32 s13, s19;
	v8 =	vsel vm2, s7, v8;
	s7 =	smulhi.u32 $0x431BE2E9, s1;
	s5 =	spop (v2sf)  }
0x1ef: {  	(v2sf) =	vpush v5, $0x3;
	s1 =	sshra.s32 s1, $0x1F;
	[dreg:$0x16] =	wrdreg s25;
	s13 =	smulhi.u32 $0x431BE2E9, s5  }
0x1f0: {  	s4 =	sshra.s32 s26, $0x12;
	s6 =	spop (v2sf);
	s1 =	smul.u32 $0x431BE2E9, s1  }
0x1f1: {  	v10 =	vsel vm1, s14, v10;
	(v2sf) =	vpush v5, $0x2;
	s5 =	sshra.s32 s5, $0x1F;
	[dreg:$0x17] =	wrdreg s7;
	s14 =	smulhi.u32 $0x431BE2E9, s6  }
0x1f2: {  	s12 =	sshrl.u32 s8, $0x1F;
	s16 =	spop (v2sf);
	s5 =	smul.u32 $0x431BE2E9, s5  }
0x1f3: {  	vm15 =	vcmask $0x2F2C;
	v9 =	vsel vm5, s0, v9;
	s0 =	sshra.s32 s21, $0x12;
	(v2sf) =	vpush v5, $0x1;
	[dreg:$0xc] =	wrdreg s13;
	s19 =	smulhi.u32 $0x431BE2E9, s16  }
0x1f4: {  	v7 =	vsel vm15, s18, v7;
	(v2sf) =	vpush v5, $0x0;
	s29 =	sshra.s32 s6, $0x1F;
	s18 =	spop (v2sf);
	[dreg:$0x19] =	wrdreg s14  }
0x1f5: {  	s26 =	sadd.s32 s3, s22;
	(v2sf) =	vpush v5, $0x7;
	s29 =	smul.u32 $0x431BE2E9, s29;
	[dreg:$0x1b] =	wrdreg s5  }
0x1f6: {  	(v2sf) =	vpush v6, $0x7;
	s7 =	smulhi.u32 $0x431BE2E9, s18;
	s18 =	sshra.s32 s18, $0x1F;
	[dreg:$0x1d] =	wrdreg s19  }
0x1f7: {  	v11 =	vsel vm1, s15, v11;
	v9 =	vsel vm6, s20, v9;
	s20 =	sshra.s32 s26, $0x12;
	(v2sf) =	vpush v6, $0x0;
	s19 =	spop (v2sf);
	s31 =	smul.u32 $0x431BE2E9, s18  }
0x1f8: {  	v10 =	vsel vm2, s12, v10;
	s21 =	sshrl.u32 s26, $0x1F;
	v7 =	vsel vm7, s20, v7;
	(v2sf) =	vpush v6, $0x1;
	s22 =	smulhi.u32 $0x431BE2E9, s19;
	s20 =	spop (v2sf)  }
0x1f9: {  	v8 =	vcombine.low v10, v8;
	v10 =	vsel vm2, s0, v11;
	s25 =	sshra.s32 s26, $0x1F;
	(v2sf) =	vpush v6, $0x2;
	s26 =	smulhi.u32 $0x431BE2E9, s20;
	s0 =	spop (v2sf)  }
0x1fa: {  	s15 =	sshra.s32 s8, $0x12;
	v9 =	vsel vm7, s21, v9;
	(v2sf) =	vpush v6, $0x3;
	s3 =	smulhi.u32 $0x431BE2E9, s0;
	s21 =	spop (v2sf)  }
0x1fb: {  	(v2sf) =	vpush v6, $0x4;
	[smem:$0x7B4] =	sst s22;
	s0 =	sshra.s32 s0, $0x1F;
	s9 =	smulhi.u32 $0x431BE2E9, s21  }
0x1fc: {  	vm3 =	vcmask $0x3734;
	s8 =	sadd.s32 $0x10, s23;
	v11 =	vsel vm2, s15, v12;
	(v2sf) =	vpush v6, $0xC;
	s22 =	spop (v2sf);
	s0 =	smul.u32 $0x431BE2E9, s0  }
0x1fd: {  	v10 =	vcombine.low v11, v10;
	v8 =	vperm.xlane v8, v0;
	(v2sf) =	vpush v6, $0x8;
	s21 =	sshra.s32 s21, $0x1F;
	[smem:$0x7B3] =	sst s3;
	s11 =	smulhi.u32 $0x431BE2E9, s22  }
0x1fe: {  	v9 =	vsel vm11, s2, v9;
	s2 =	sand.u32 $0x70, s8;
	v7 =	vsel vm3, s25, v7;
	(v2sf) =	vpush v6, $0xD;
	s23 =	spop (v2sf);
	s3 =	smul.u32 $0x431BE2E9, s21  }
0x1ff: {  	v9 =	vperm.xlane v9, v2;
	v7 =	vsel vm11, s4, v7;
	[smem:$0x7B5] =	sst s26;
	(v2sf) =	vpush v6, $0x9;
	s22 =	sshra.s32 s22, $0x1F;
	s12 =	smulhi.u32 $0x431BE2E9, s23  }
0x200: {  	v10 =	vperm.xlane v10, v0;
	v7 =	vperm.xlane v7, v2;
	(v2sf) =	vpush v6, $0x5;
	s14 =	spop (v2sf);
	s5 =	sshra.s32 s23, $0x1F;
	s23 =	smul.u32 $0x431BE2E9, s22  }
0x201: {  	s15 =	sshra.s32 s17, $0x1F;
	(v2sf) =	vpush v6, $0xE;
	[smem:$0x7B6] =	sst s11;
	s13 =	smulhi.u32 $0x431BE2E9, s14  }
0x202: {  	v8 =	vsel vm8, v9, v8;
	v7 =	vsel vm8, v7, v10;
	s11 =	sor.u32 s2, s10;
	s10 =	spop (v2sf);
	(v2sf) =	vpush v6, $0xA;
	s2 =	smul.u32 $0x431BE2E9, s15  }
0x203: {  	v7 =	vadd.s32 v8, v7;
	s15 =	sshra.s32 s19, $0x1F;
	[dreg:$0x1e] =	wrdreg s12;
	s12 =	spop (v2sf);
	(v2sf) =	vpush v6, $0xF  }
0x204: {  	v7 =	vmul.u32 $0xF423F, v7;
	s19 =	smul.u32 $0x431BE2E9, s15;
	s28 =	spop (v2sf);
	(v2sf) =	vpush v6, $0xB  }
0x205: {  	s9 =	sadd.s32 s3, s9;
	s3 =	sld [smem:$0x7B6];
	s17 =	spop (v2sf)  }
0x206: {  	v7 =	vsub.s32 v4, v7;
	[smem:$0x7B7] =	sst s13;
	s25 =	spop (v2sf)  }
0x207: {  	v4 =	vmovc v6;
	vm9 =	vlt.s32 v7, $0x0;
	s13 =	smulhi.u32 $0x431BE2E9, s10;
	(v2sf) =	vpush v6, $0x6;
	v6 =	vadd.s32 $0xF423F, v7;
	s26 =	spop (v2sf)  }
0x208: {  	[dreg:$0x15] =	wrdreg s17;
	v6 =	vsel vm9, v6, v7;
	s6 =	spop (v2sf)  }
0x209: {  	[dreg:$0xf] =	wrdreg s25;
	[tilespmem:s11+$0x0] =	vst v6;
	s11 =	spop (v2sf)  }
0x20a: {  	s18 =	sshra.s32 s20, $0x1F;
	[dreg:$0x11] =	wrdreg s26;
	s26 =	spop (v2sf)  }
0x20b: {  	s25 =	smul.u32 $0x431BE2E9, s18;
	s17 =	spop (v2sf)  }
0x20c: {  	s18 =	rddreg [dreg:$0x16];
	s20 =	spop (v2sf)  }
0x20d: {  	[smem:$0x7B9] =	sst s17;
	s17 =	spop (v2sf)  }
0x20e: {  	[smem:$0x7B8] =	sst s20;
	s20 =	spop (v2sf)  }
0x20f: {  	s18 =	sadd.s32 s2, s18;
	s2 =	sld [smem:$0x7B4];
	s30 =	spop (v2sf)  }
0x210: {  	[dreg:$0x12] =	wrdreg s6;
	s15 =	spop (v2sf)  }
0x211: {  	s6 =	sshra.s32 s14, $0x1F;
	s14 =	smul.u32 $0x431BE2E9, s5;
	s21 =	spop (v2sf)  }
0x212: {  	s16 =	sshra.s32 s16, $0x1F;
	[smem:$0x7BD] =	sst s11;
	s5 =	spop (v2sf)  }
0x213: {  	s11 =	smul.u32 $0x431BE2E9, s16;
	s16 =	spop (v2sf)  }
0x214: {  	s24 =	sadd.s32 $0x20, s24;
	s8 =	smulhi.u32 $0x431BE2E9, s12;
	[smem:$0x7BA] =	sst s16  }
0x215: {  	s4 =	smulhi.u32 $0x431BE2E9, s28;
	s28 =	sshra.s32 s28, $0x1F;
	s16 =	rddreg [dreg:$0x17]  }
0x216: {  	s19 =	sadd.s32 s19, s2;
	s2 =	sld [smem:$0x7B5];
	s16 =	sadd.s32 s1, s16  }
0x217: {  	s1 =	smul.u32 $0x431BE2E9, s28;
	s28 =	sadd.s32 s31, s7;
	s7 =	rddreg [dreg:$0x19]  }
0x218: {  	s10 =	sshra.s32 s10, $0x1F;
	s29 =	sadd.s32 s29, s7;
	s7 =	rddreg [dreg:$0x1d]  }
0x219: {  	s10 =	smul.u32 $0x431BE2E9, s10;
	s7 =	sadd.s32 s11, s7;
	s11 =	sld [smem:$0x7B3]  }
0x21a: {  	s12 =	sshra.s32 s12, $0x1F;
	s3 =	sadd.s32 s23, s3;
	s23 =	rddreg [dreg:$0xb]  }
0x21b: {  	s12 =	smul.u32 $0x431BE2E9, s12;
	s10 =	sadd.s32 s10, s13;
	s23 =	sadd.s32 $0x20, s23  }
0x21c: {  	s22 =	smul.u32 $0x431BE2E9, s6;
	s2 =	sadd.s32 s25, s2;
	s11 =	sadd.s32 s0, s11  }
0x21d: {  	s0 =	sadd.s32 s1, s4;
	s1 =	sadd.s32 s12, s8;
	s12 =	sld [smem:$0x7B7]  }
0x21e: {  	s6 =	spop (v2sf);
	s31 =	smov.u32 s26;
	s8 =	sshra.s32 s0, $0x1F  }
0x21f: {  	s13 =	sshrl.u32 s28, $0x1F;
	s25 =	sshra.s32 s1, $0x12;
	v6 =	vmov s8;
	s8 =	sshra.s32 s10, $0x1F  }
0x220: {  	s4 =	sadd.s32 s22, s12;
	s22 =	rddreg [dreg:$0x5];
	s12 =	sshrl.u32 s11, $0x1F  }
0x221: {  	vm9 =	vcmask $0x704;
	s11 =	sshra.s32 s11, $0x12;
	v6 =	vsel vm4, s25, v6;
	s25 =	sshra.s32 s1, $0x1F;
	s1 =	sshrl.u32 s1, $0x1F  }
0x222: {  	v7 =	vmov s12;
	s12 =	sshrl.u32 s9, $0x1F;
	v9 =	vmov s11;
	s11 =	sshra.s32 s9, $0x12;
	v6 =	vsel vm9, s25, v6;
	s25 =	sshrl.u32 s19, $0x1F  }
0x223: {  	s9 =	sshra.s32 s28, $0x12;
	s28 =	smov.u32 s5;
	s5 =	sshrl.u32 s16, $0x1F  }
0x224: {  	s22 =	sadd.s32 s23, s22;
	v8 =	vmov s12;
	s12 =	sshra.s32 s10, $0x12;
	v11 =	vmov s11;
	s11 =	sshra.s32 s19, $0x12  }
0x225: {  	v7 =	vsel vm0, s13, v7;
	s19 =	smov.u32 s15;
	s13 =	sshra.s32 s4, $0x12;
	s15 =	sshrl.u32 s29, $0x1F  }
0x226: {  	v9 =	vsel vm0, s9, v9;
	s9 =	sshrl.u32 s7, $0x1F;
	s7 =	sshra.s32 s7, $0x12;
	v8 =	vsel vm0, s25, v8;
	s25 =	rddreg [dreg:$0x1e]  }
0x227: {  	v6 =	vsel vm0, s12, v6;
	v11 =	vsel vm0, s11, v11;
	s11 =	sshra.s32 s29, $0x12;
	s29 =	smov.u32 s6;
	s6 =	sld [smem:$0x7BD]  }
0x228: {  	v6 =	vsel vm10, s8, v6;
	s12 =	sadd.s32 s14, s25;
	s8 =	sshra.s32 s4, $0x1F;
	s14 =	sshrl.u32 s10, $0x1F  }
0x229: {  	v10 =	vmov s1;
	v9 =	vsel vm1, s11, v9;
	s25 =	sshrl.u32 s18, $0x1F;
	s11 =	sshra.s32 s18, $0x12;
	s18 =	sld [smem:$0x7B8];
	v6 =	vsel vm1, s13, v6  }
0x22a: {  	v10 =	vnsel vm4, $0x0, v10;
	v8 =	vsel vm1, s9, v8;
	s4 =	sshrl.u32 s4, $0x1F;
	s9 =	rddreg [dreg:$0x1b];
	s13 =	sshra.s32 s12, $0x12;
	v6 =	vsel vm12, s8, v6  }
0x22b: {  	v7 =	vsel vm1, s15, v7;
	v11 =	vsel vm1, s7, v11;
	s10 =	sshra.s32 s2, $0x1F;
	s7 =	rddreg [dreg:$0xf];
	s15 =	sshra.s32 s12, $0x1F;
	v6 =	vsel vm2, s13, v6  }
0x22c: {  	v10 =	vsel vm0, s14, v10;
	v7 =	vsel vm2, s25, v7;
	s14 =	sshrl.u32 s12, $0x1F;
	s25 =	sshra.s32 s2, $0x12;
	s8 =	sshra.s32 s3, $0x12;
	v6 =	vsel vm13, s15, v6  }
0x22d: {  	s2 =	sshrl.u32 s2, $0x1F;
	s12 =	rddreg [dreg:$0x15];
	v10 =	vsel vm1, s4, v10;
	s13 =	sshra.s32 s3, $0x1F;
	v6 =	vsel vm5, s8, v6  }
0x22e: {  	v8 =	vsel vm2, s5, v8;
	v10 =	vsel vm2, s14, v10;
	s3 =	sshrl.u32 s3, $0x1F;
	s14 =	sshra.s32 s12, $0x1F;
	s8 =	rddreg [dreg:$0xc];
	v6 =	vsel vm14, s13, v6  }
0x22f: {  	v9 =	vsel vm2, s11, v9;
	v7 =	vcombine.low v8, v7;
	s12 =	smulhi.u32 $0x431BE2E9, s12;
	s15 =	sshra.s32 s16, $0x12;
	s4 =	sadd.s32 s9, s8;
	v6 =	vsel vm6, s25, v6  }
0x230: {  	s16 =	sld [smem:$0x7B9];
	v8 =	vsel vm5, s3, v10;
	s3 =	smul.u32 $0x431BE2E9, s14;
	v11 =	vsel vm2, s15, v11;
	s11 =	sshra.s32 s4, $0x12;
	v6 =	vsel vm15, s10, v6  }
0x231: {  	v8 =	vsel vm6, s2, v8;
	v9 =	vcombine.low v11, v9;
	s13 =	rddreg [dreg:$0x11];
	s15 =	sshrl.u32 s4, $0x1F;
	s25 =	sshra.s32 s4, $0x1F;
	v6 =	vsel vm7, s11, v6  }
0x232: {  	v7 =	vperm.xlane v7, v0;
	s8 =	sshra.s32 s26, $0x1F;
	s4 =	sshrl.u32 s0, $0x1F;
	s0 =	sshra.s32 s0, $0x12;
	v8 =	vsel vm7, s15, v8;
	v6 =	vsel vm3, s25, v6  }
0x233: {  	s26 =	sadd.s32 s3, s12;
	s3 =	sshra.s32 s17, $0x1F;
	s14 =	sshra.s32 s13, $0x1F;
	v9 =	vperm.xlane v9, v0;
	v8 =	vsel vm11, s4, v8;
	v6 =	vsel vm11, s0, v6  }
0x234: {  	s5 =	sshra.s32 s16, $0x1F;
	s11 =	sshra.s32 s7, $0x1F;
	s4 =	smulhi.u32 $0x431BE2E9, s7;
	v8 =	vperm.xlane v8, v2;
	v6 =	vperm.xlane v6, v2  }
0x235: {  	s2 =	sshra.s32 s26, $0x1F;
	s15 =	rddreg [dreg:$0x12];
	s1 =	smul.u32 $0x431BE2E9, s11  }
0x236: {  	s13 =	smulhi.u32 $0x431BE2E9, s13;
	s10 =	sshra.s32 s6, $0x1F;
	s9 =	sshra.s32 s15, $0x1F;
	v7 =	vsel vm8, v8, v7;
	v6 =	vsel vm8, v6, v9  }
.Ltmp1:
0x237: {  	s7 =	sshra.s32 s18, $0x1F;
	s4 =	sadd.s32 s1, s4;
	v6 =	vadd.s32 v7, v6;
	(pc) =	sbr.rel @p1 .LBB2_4-.Ltmp1, $4  }
0x238: {  	s25 =	sld [smem:$0x7BA];
	s0 =	smul.u32 $0x431BE2E9, s14;
	s14 =	sshra.s32 s4, $0x12;
	v7 =	vmov s2;
	v6 =	vmul.u32 $0xF423F, v6  }
0x239: {  	s11 =	rddreg [dreg:$0x7];
	s1 =	smulhi.u32 $0x431BE2E9, s15;
	s12 =	sshra.s32 s4, $0x1F;
	v7 =	vsel vm4, s14, v7  }
0x23a: {  	v9 =	vor.u32 s22, v1;
	s2 =	sadd.s32 s0, s13;
	s13 =	smul.u32 $0x431BE2E9, s9;
	s0 =	sand.u32 $0x380, s23;
	v8 =	vsel vm9, s12, v7;
	v5 =	vsub.s32 v5, v6  }
0x23b: {  	s9 =	sshra.s32 s2, $0x1F;
	s14 =	smul.u32 $0x431BE2E9, s10;
	s12 =	sshra.s32 s2, $0x12;
	v7 =	vand.u32 $0x1FEF, v9;
	vm9 =	vlt.s32 v5, $0x0;
	v6 =	vadd.s32 $0xF423F, v5  }
0x23c: {  	s6 =	smulhi.u32 $0x431BE2E9, s6  }
0x23d: {  	s8 =	smul.u32 $0x431BE2E9, s8  }
0x23e: {  	s10 =	smulhi.u32 $0x431BE2E9, s31  }
0x23f: {  	s5 =	smul.u32 $0x431BE2E9, s5  }
0x240: {  	s7 =	smul.u32 $0x431BE2E9, s7  }
0x241: {  	s11 =	smulhi.u32 $0x431BE2E9, s16  }
0x242: {  	s15 =	smulhi.u32 $0x431BE2E9, s18  }
0x243: {  	s3 =	smul.u32 $0x431BE2E9, s3  }
0x244: {  	s18 =	smulhi.u32 $0x431BE2E9, s17  }
0x245: {  	s31 =	sshra.s32 s20, $0x1F;
	s20 =	smulhi.u32 $0x431BE2E9, s20  }
0x246: {  	s24 =	smulhi.u32 $0x431BE2E9, s30  }
0x247: {  	s16 =	sshra.s32 s30, $0x1F;
	s30 =	smulhi.u32 $0x431BE2E9, s19  }
0x248: {  	s1 =	sadd.s32 s13, s1;
	s22 =	sshra.s32 s19, $0x1F;
	s13 =	smul.u32 $0x431BE2E9, s31  }
0x249: {  	s4 =	sshrl.u32 s4, $0x1F;
	s2 =	sshrl.u32 s2, $0x1F;
	s17 =	smul.u32 $0x431BE2E9, s22  }
0x24a: {  	s31 =	sshra.s32 s21, $0x1F;
	s22 =	sshra.s32 s28, $0x1F;
	s6 =	sadd.s32 s14, s6  }
0x24b: {  	s8 =	sadd.s32 s8, s10;
	s10 =	sshra.s32 s1, $0x12;
	s14 =	smul.u32 $0x431BE2E9, s16  }
0x24c: {  	v8 =	vsel vm0, s12, v8;
	s5 =	sadd.s32 s5, s11;
	s16 =	sshra.s32 s1, $0x1F;
	s7 =	sadd.s32 s7, s15  }
0x24d: {  	v8 =	vsel vm10, s9, v8;
	s3 =	sadd.s32 s3, s18;
	s1 =	sshrl.u32 s1, $0x1F;
	s9 =	smul.u32 $0x431BE2E9, s22  }
0x24e: {  	s18 =	sshra.s32 s6, $0x12;
	s13 =	sadd.s32 s13, s20;
	s15 =	sshra.s32 s6, $0x1F  }
0x24f: {  	s12 =	sshra.s32 s8, $0x12;
	v8 =	vsel vm1, s10, v8;
	s10 =	sshrl.u32 s5, $0x1F;
	s20 =	sshra.s32 s29, $0x1F  }
0x250: {  	s5 =	sshra.s32 s5, $0x12;
	s11 =	sadd.s32 s14, s24;
	s24 =	smul.u32 $0x431BE2E9, s31  }
0x251: {  	vm3 =	vcmask $0x1714;
	vm13 =	vcmask $0x1F1C;
	s6 =	sshrl.u32 s6, $0x1F;
	s14 =	sadd.s32 s17, s30;
	s30 =	smulhi.u32 $0x431BE2E9, s21  }
0x252: {  	vm14 =	vcmask $0x2724;
	vm15 =	vcmask $0x2F2C;
	v9 =	vmov s4;
	s17 =	sshra.s32 s25, $0x1F;
	s31 =	sshrl.u32 s7, $0x1F;
	s19 =	smul.u32 $0x431BE2E9, s20  }
0x253: {  	vm12 =	vcmask $0x3734;
	v9 =	vnsel vm4, $0x0, v9;
	v8 =	vsel vm3, s16, v8;
	s7 =	sshra.s32 s7, $0x12;
	s22 =	sshrl.u32 s13, $0x1F;
	s16 =	smul.u32 $0x431BE2E9, s17  }
0x254: {  	v9 =	vsel vm0, s2, v9;
	v8 =	vsel vm2, s18, v8;
	s18 =	sshra.s32 s8, $0x1F;
	v11 =	vmov s31;
	s31 =	smulhi.u32 $0x431BE2E9, s28;
	s17 =	sshrl.u32 s8, $0x1F  }
0x255: {  	v10 =	vmov s10;
	v9 =	vsel vm1, s1, v9;
	v12 =	vmov s5;
	s21 =	sshrl.u32 s14, $0x1F;
	s28 =	smulhi.u32 $0x431BE2E9, s29;
	s4 =	sadd.s32 s24, s30  }
0x256: {  	v13 =	vmov s7;
	v9 =	vsel vm2, s6, v9;
	v8 =	vsel vm13, s15, v8;
	s15 =	sshrl.u32 s3, $0x1F;
	s24 =	sshra.s32 s3, $0x12;
	s30 =	sshra.s32 s13, $0x12  }
0x257: {  	s13 =	sshra.s32 s11, $0x12;
	v11 =	vsel vm0, s22, v11;
	s22 =	smulhi.u32 $0x431BE2E9, s25;
	s25 =	sshra.s32 s14, $0x12;
	v9 =	vsel vm5, s17, v9;
	v8 =	vsel vm5, s12, v8  }
0x258: {  	v10 =	vsel vm0, s15, v10;
	s20 =	sadd.s32 s9, s31;
	v12 =	vsel vm0, s24, v12;
	v13 =	vsel vm0, s30, v13;
	s24 =	sshrl.u32 s4, $0x1F;
	s29 =	sshra.s32 s4, $0x12  }
0x259: {  	s31 =	sshra.s32 s11, $0x1F;
	s9 =	sshrl.u32 s11, $0x1F;
	s10 =	sadd.s32 s19, s28;
	v8 =	vsel vm14, s18, v8;
	v10 =	vsel vm1, s21, v10;
	v11 =	vsel vm1, s24, v11  }
0x25a: {  	s30 =	sadd.s32 s16, s22;
	v12 =	vsel vm1, s25, v12;
	v13 =	vsel vm1, s29, v13;
	s11 =	sshrl.u32 s20, $0x1F;
	v9 =	vsel vm6, s9, v9;
	s15 =	sshrl.u32 s10, $0x1F  }
0x25b: {  	v8 =	vsel vm6, s13, v8;
	v10 =	vsel vm2, s11, v10;
	s12 =	sshrl.u32 s30, $0x1F;
	s13 =	sshra.s32 s20, $0x12;
	v9 =	vsel vm7, s15, v9  }
0x25c: {  	s14 =	sshra.s32 s10, $0x12;
	s4 =	sshra.s32 s30, $0x12;
	v8 =	vsel vm15, s31, v8;
	v11 =	vsel vm2, s12, v11;
	v12 =	vsel vm2, s13, v12  }
0x25d: {  	s16 =	sshrl.u32 s26, $0x1F;
	s2 =	sshra.s32 s10, $0x1F;
	v13 =	vsel vm2, s4, v13;
	v8 =	vsel vm7, s14, v8;
	v10 =	vcombine.low v11, v10  }
0x25e: {  	s17 =	sshra.s32 s26, $0x12;
	v9 =	vsel vm11, s16, v9;
	v62 =	vcombine.low v13, v12;
	v8 =	vsel vm12, s2, v8  }
0x25f: {  	v9 =	vperm.xlane v9, v2;
	v10 =	vperm.xlane v10, v0;
	v8 =	vsel vm11, s17, v8  }
0x260: {  	v11 =	vperm.xlane v62, v0;
	v8 =	vperm.xlane v8, v2;
	_ =	sdelay $0x1  }
0x261: {  	v9 =	vsel vm8, v9, v10;
	v8 =	vsel vm8, v8, v11  }
0x262: {  	v8 =	vadd.s32 v9, v8  }
0x263: {  	v8 =	vmul.u32 $0xF423F, v8;
	_ =	sdelay $0x1  }
0x264: {  	v5 =	vsel vm9, v6, v5;
	vm9 =	veq.s32 v7, $0x0;
	s0 =	sadd.s32 $0x480, s0;
	s19 =	sadd.s32 $0x10, s23;
	s18 =	sand.u32 $0x60, s23;
	v4 =	vsub.s32 v4, v8  }
0x265: {  	v5 =	vsel vm9, $0xF423F, v5;
	s1 =	sor.u32 s18, s0;
	s2 =	sand.u32 $0x70, s19;
	vm9 =	vlt.s32 v4, $0x0;
	v63 =	vadd.s32 $0xF423F, v4  }
0x266: {  	s5 =	rddreg [dreg:$0x1];
	[tilespmem:s1+$0x0] =	vst v5;
	s0 =	sor.u32 s2, s0;
	v4 =	vsel vm9, v63, v4  }
0x267: {  	s21 =	simm.s32 $0x500;
	s22 =	simm.s32 $0x4880;
	s20 =	simm.s32 $0x80;
	[tilespmem:s0+$0x0] =	vst v4  }
0x268: {  	[tilespmem:s22], [sflag:$0x2] =	stream.indirect.gather [hbm4b:s5+s20], $0x80, s21, s20, $0xb8;
	[tilespmem:$0x1C900] =	vst v63  }
0x269: {  	s23 =	simm.s32 $0x580;
	s24 =	simm.s32 $0x8880  }
0x26a: {  	[tilespmem:s24], [sflag:$0x3] =	stream.indirect.gather [hbm4b:s5+s20], $0x80, s23, s20, $0xb8;
	[tilespmem:$0x1C900] =	vst v63  }
0x26b: {  	s8 =	simm.s32 $0x0;
	s25 =	simm.s32 $0x600;
	s26 =	simm.s32 $0xC880  }
0x26c: {  	[tilespmem:s26], [sflag:$0x4] =	stream.indirect.gather [hbm4b:s5+s20], $0x80, s25, s20, $0xb8;
	[tilespmem:$0x1C900] =	vst v63  }
0x26d: {  	s28 =	simm.s32 $0x680;
	s29 =	simm.s32 $0x10880;
	s30 =	simm.s32 $0x700  }
0x26e: {  	[tilespmem:s29], [sflag:$0x5] =	stream.indirect.gather [hbm4b:s5+s20], $0x80, s28, s20, $0xb8;
	[tilespmem:$0x1C900] =	vst v63  }
0x26f: {  	s31 =	simm.s32 $0x14880;
	s1 =	simm.s32 $0x0;
	s7 =	sld [smem:$0x7FD]  }
0x270: {  	vm10 =	vcmask $0x704;
	[tilespmem:s31], [sflag:$0x6] =	stream.indirect.gather [hbm4b:s5+s20], $0x80, s30, s20, $0xb8;
	[tilespmem:$0x1C900] =	vst v63  }
.LBB2_6:
0x271: {  	p1 =	seq.s32 s1, $0x7;
	s4 =	smov.u32 s1  }
0x272: {  	s4 =	simm.s32 @p1 $0x0  }
0x273: {  	s2 =	sadd.s32 $0x1, s4  }
0x274: {  	s0 =	sshll.u32 s4, $0x10;
	_ =	swait.ge [sflag:s2], $0x4000  }
0x275: {  	s0 =	sshra.s32 s0, $0x2;
	[sflag:s2] =	ssyncset.done $0x0  }
0x276: {  	s6 =	sor.u32 $0x980, s0;
	[sflag:s2] =	ssyncadd.s32 $0xFFFFC000  }
0x277: {  	v4 =	vld [tilespmem:s6+$0xF0]  }
0x278: {  	v5 =	vld [tilespmem:s6+$0xFFFFFF10]  }
0x279: {  	v6 =	vld [tilespmem:s6+$0xFFFFFF20]  }
0x27a: {  	v7 =	vld [tilespmem:s6+$0xFFFFFF30]  }
0x27b: {  	v10 =	vld [tilespmem:s6+$0xFFFFFF60]  }
0x27c: {  	v8 =	vld [tilespmem:s6+$0xFFFFFF40]  }
0x27d: {  	v9 =	vld [tilespmem:s6+$0xFFFFFF50];
	v4 =	vmul.f32 v4, v3  }
0x27e: {  	v12 =	vld [tilespmem:s6+$0xFFFFFF80];
	v5 =	vmul.f32 v5, v3  }
0x27f: {  	v11 =	vld [tilespmem:s6+$0xFFFFFF70];
	v6 =	vmul.f32 v6, v3;
	[tilespmem:s6+$0xF0] =	vst v4  }
0x280: {  	v62 =	vld [tilespmem:s6+$0xFFFFFFD0];
	v10 =	vmul.f32 v10, v3;
	[tilespmem:s6+$0xFFFFFF10] =	vst v5  }
0x281: {  	v4 =	vld [tilespmem:s6+$0xFFFFFF90];
	[tilespmem:s6+$0xFFFFFF20] =	vst v6;
	v6 =	vmul.f32 v8, v3  }
0x282: {  	v5 =	vmul.f32 v7, v3;
	[tilespmem:s6+$0xFFFFFF60] =	vst v10;
	v10 =	vld [tilespmem:s6+$0xFFFFFFF0]  }
0x283: {  	v7 =	vld [tilespmem:s6+$0xFFFFFFA0];
	[tilespmem:s6+$0xFFFFFF40] =	vst v6;
	v6 =	vmul.f32 v12, v3  }
0x284: {  	v8 =	vld [tilespmem:s6+$0xFFFFFFB0];
	[tilespmem:s6+$0xFFFFFF30] =	vst v5;
	v5 =	vmul.f32 v9, v3  }
0x285: {  	v9 =	vld [tilespmem:s6+$0xFFFFFFC0];
	[tilespmem:s6+$0xFFFFFF80] =	vst v6;
	v6 =	vmul.f32 v11, v3  }
0x286: {  	[tilespmem:s6+$0xFFFFFF50] =	vst v5;
	v5 =	vld [tilespmem:s6+$0xFFFFFFE0];
	v4 =	vmul.f32 v4, v3  }
0x287: {  	v11 =	vld [tilespmem:s6+$0x30];
	v10 =	vmul.f32 v10, v3;
	[tilespmem:s6+$0xFFFFFF70] =	vst v6  }
0x288: {  	v6 =	vmul.f32 v7, v3;
	v7 =	vld [tilespmem:s6+$0x0];
	[tilespmem:s6+$0xFFFFFF90] =	vst v4  }
0x289: {  	v4 =	vmul.f32 v8, v3;
	v8 =	vld [tilespmem:s6+$0x10];
	[tilespmem:s6+$0xFFFFFFF0] =	vst v10  }
0x28a: {  	[tilespmem:s6+$0xFFFFFFA0] =	vst v6;
	v6 =	vmul.f32 v9, v3;
	v9 =	vld [tilespmem:s6+$0x20]  }
0x28b: {  	v10 =	vld [tilespmem:s6+$0x80];
	[tilespmem:s6+$0xFFFFFFB0] =	vst v4;
	v4 =	vmul.f32 v62, v3  }
0x28c: {  	v5 =	vmul.f32 v5, v3;
	[tilespmem:s6+$0xFFFFFFC0] =	vst v6;
	v6 =	vld [tilespmem:s6+$0x40]  }
0x28d: {  	[tilespmem:s6+$0xFFFFFFD0] =	vst v4;
	v4 =	vmul.f32 v7, v3  }
0x28e: {  	v7 =	vld [tilespmem:s6+$0x50];
	[tilespmem:s6+$0xFFFFFFE0] =	vst v5;
	v8 =	vmul.f32 v8, v3  }
0x28f: {  	v5 =	vld [tilespmem:s6+$0x60];
	[tilespmem:s6+$0x0] =	vst v4;
	v4 =	vmul.f32 v9, v3  }
0x290: {  	v10 =	vmul.f32 v10, v3;
	v9 =	vld [tilespmem:s6+$0x70];
	[tilespmem:s6+$0x10] =	vst v8  }
0x291: {  	v8 =	vmul.f32 v11, v3;
	v11 =	vld [tilespmem:s6+$0x90];
	[tilespmem:s6+$0x20] =	vst v4;
	v4 =	vmul.f32 v6, v3  }
0x292: {  	v63 =	vld [tilespmem:s6+$0xA0];
	[tilespmem:s6+$0x80] =	vst v10  }
0x293: {  	v6 =	vmul.f32 v7, v3;
	[tilespmem:s6+$0x40] =	vst v4;
	v4 =	vld [tilespmem:s6+$0xB0]  }
0x294: {  	[tilespmem:s6+$0x30] =	vst v8;
	v7 =	vmul.f32 v5, v3;
	v5 =	vld [tilespmem:s6+$0xC0]  }
0x295: {  	[tilespmem:s6+$0x50] =	vst v6;
	v8 =	vmul.f32 v9, v3;
	v6 =	vld [tilespmem:s6+$0xD0]  }
0x296: {  	[tilespmem:s6+$0x60] =	vst v7;
	v7 =	vld [tilespmem:s6+$0xE0];
	v9 =	vmul.f32 v11, v3  }
0x297: {  	s0 =	sor.u32 $0x880, s0;
	s2 =	simm.s32 $0x0;
	s3 =	sadd.s32 $0x200, s6;
	v10 =	vmul.f32 v63, v3;
	[tilespmem:s6+$0x70] =	vst v8;
	v8 =	vld [tilespmem:s6+$0xFFFFFF00]  }
.LBB2_7:
0x298: {  	v11 =	vld [tilespmem:s3+$0xF0];
	s2 =	sadd.s32 $0x4, s2;
	[tilespmem:s6+$0x90] =	vst v9;
	v4 =	vmul.f32 v4, v3  }
0x299: {  	v9 =	vld [tilespmem:s3+$0xFFFFFF10];
	p1 =	slt.u32 s2, $0x7C;
	[tilespmem:s6+$0xA0] =	vst v10;
	v5 =	vmul.f32 v5, v3  }
0x29a: {  	v10 =	vld [tilespmem:s3+$0xFFFFFF20];
	[tilespmem:s6+$0xB0] =	vst v4;
	v4 =	vmul.f32 v6, v3  }
0x29b: {  	v6 =	vld [tilespmem:s3+$0xFFFFFF30];
	[tilespmem:s6+$0xC0] =	vst v5;
	v5 =	vmul.f32 v7, v3  }
0x29c: {  	v7 =	vld [tilespmem:s3+$0xFFFFFF40];
	v8 =	vmul.f32 v8, v3;
	[tilespmem:s6+$0xD0] =	vst v4  }
0x29d: {  	v4 =	vld [tilespmem:s3+$0xFFFFFF50];
	v11 =	vmul.f32 v11, v3;
	[tilespmem:s6+$0xE0] =	vst v5  }
0x29e: {  	v5 =	vmul.f32 v9, v3;
	v9 =	vld [tilespmem:s3+$0xFFFFFF60];
	[tilespmem:s6+$0xFFFFFF00] =	vst v8;
	s6 =	smov.u32 s3  }
0x29f: {  	v8 =	vmul.f32 v10, v3;
	v10 =	vld [tilespmem:s3+$0xFFFFFF70];
	[tilespmem:s3+$0xF0] =	vst v11  }
0x2a0: {  	[tilespmem:s3+$0xFFFFFF10] =	vst v5;
	v5 =	vmul.f32 v6, v3;
	v6 =	vld [tilespmem:s3+$0xFFFFFF80]  }
0x2a1: {  	[tilespmem:s3+$0xFFFFFF20] =	vst v8;
	v7 =	vmul.f32 v7, v3;
	v8 =	vld [tilespmem:s3+$0xFFFFFF90]  }
0x2a2: {  	[tilespmem:s3+$0xFFFFFF30] =	vst v5;
	v4 =	vmul.f32 v4, v3;
	v5 =	vld [tilespmem:s3+$0xFFFFFFA0]  }
0x2a3: {  	[tilespmem:s3+$0xFFFFFF40] =	vst v7;
	v7 =	vmul.f32 v9, v3;
	v9 =	vld [tilespmem:s3+$0xFFFFFFB0]  }
0x2a4: {  	[tilespmem:s3+$0xFFFFFF50] =	vst v4;
	v4 =	vmul.f32 v10, v3;
	v10 =	vld [tilespmem:s3+$0xFFFFFFC0]  }
0x2a5: {  	[tilespmem:s3+$0xFFFFFF60] =	vst v7;
	v6 =	vmul.f32 v6, v3;
	v7 =	vld [tilespmem:s3+$0xFFFFFFD0]  }
0x2a6: {  	[tilespmem:s3+$0xFFFFFF70] =	vst v4;
	v4 =	vmul.f32 v8, v3;
	v8 =	vld [tilespmem:s3+$0xFFFFFFE0]  }
0x2a7: {  	[tilespmem:s3+$0xFFFFFF80] =	vst v6;
	v5 =	vmul.f32 v5, v3;
	v6 =	vld [tilespmem:s3+$0xFFFFFFF0]  }
0x2a8: {  	[tilespmem:s3+$0xFFFFFF90] =	vst v4;
	v4 =	vmul.f32 v9, v3;
	v9 =	vld [tilespmem:s3+$0x0]  }
0x2a9: {  	[tilespmem:s3+$0xFFFFFFA0] =	vst v5;
	v5 =	vmul.f32 v10, v3;
	v10 =	vld [tilespmem:s3+$0x10]  }
0x2aa: {  	[tilespmem:s3+$0xFFFFFFB0] =	vst v4;
	v4 =	vmul.f32 v7, v3;
	v7 =	vld [tilespmem:s3+$0x20]  }
0x2ab: {  	[tilespmem:s3+$0xFFFFFFC0] =	vst v5;
	v5 =	vmul.f32 v8, v3;
	v8 =	vld [tilespmem:s3+$0x30]  }
0x2ac: {  	[tilespmem:s3+$0xFFFFFFD0] =	vst v4;
	v4 =	vmul.f32 v6, v3;
	v6 =	vld [tilespmem:s3+$0x40]  }
0x2ad: {  	[tilespmem:s3+$0xFFFFFFE0] =	vst v5;
	v5 =	vmul.f32 v9, v3;
	v9 =	vld [tilespmem:s3+$0x50]  }
0x2ae: {  	[tilespmem:s3+$0xFFFFFFF0] =	vst v4;
	v4 =	vmul.f32 v10, v3;
	v10 =	vld [tilespmem:s3+$0x60]  }
0x2af: {  	[tilespmem:s3+$0x0] =	vst v5;
	v5 =	vmul.f32 v7, v3;
	v7 =	vld [tilespmem:s3+$0x70]  }
0x2b0: {  	[tilespmem:s3+$0x10] =	vst v4;
	v4 =	vmul.f32 v8, v3;
	v8 =	vld [tilespmem:s3+$0x80]  }
0x2b1: {  	[tilespmem:s3+$0x20] =	vst v5;
	v5 =	vmul.f32 v6, v3;
	v11 =	vld [tilespmem:s3+$0x90]  }
0x2b2: {  	[tilespmem:s3+$0x30] =	vst v4;
	v6 =	vmul.f32 v9, v3;
	v12 =	vld [tilespmem:s3+$0xA0]  }
.Ltmp2:
0x2b3: {  	[tilespmem:s3+$0x40] =	vst v5;
	v9 =	vmul.f32 v10, v3;
	v4 =	vld [tilespmem:s3+$0xB0];
	(pc) =	sbr.rel @p1 .LBB2_7-.Ltmp2, $4  }
0x2b4: {  	[tilespmem:s3+$0x50] =	vst v6;
	v7 =	vmul.f32 v7, v3;
	v5 =	vld [tilespmem:s3+$0xC0]  }
0x2b5: {  	[tilespmem:s3+$0x60] =	vst v9;
	v10 =	vmul.f32 v8, v3;
	v6 =	vld [tilespmem:s3+$0xD0]  }
0x2b6: {  	[tilespmem:s3+$0x70] =	vst v7;
	v9 =	vmul.f32 v11, v3;
	v7 =	vld [tilespmem:s3+$0xE0]  }
0x2b7: {  	s3 =	sadd.s32 $0x200, s3;
	v8 =	vld [tilespmem:s6+$0xFFFFFF00];
	[tilespmem:s6+$0x80] =	vst v10;
	v10 =	vmul.f32 v12, v3  }
0x2b8: {  	[tilespmem:s6+$0x90] =	vst v9;
	v4 =	vmul.f32 v4, v3  }
0x2b9: {  	[tilespmem:s6+$0xA0] =	vst v10;
	v5 =	vmul.f32 v5, v3  }
0x2ba: {  	[tilespmem:s6+$0xB0] =	vst v4;
	v4 =	vmul.f32 v6, v3  }
0x2bb: {  	[tilespmem:s6+$0xC0] =	vst v5;
	v5 =	vmul.f32 v7, v3  }
0x2bc: {  	v63 =	vmul.f32 v8, v3;
	[tilespmem:s6+$0xD0] =	vst v4  }
0x2bd: {  	s2 =	sshll.u32 s1, $0xB;
	[tilespmem:s6+$0xE0] =	vst v5  }
0x2be: {  	s3 =	sadd.s32 $0x8, s4;
	p1 =	sgt.u32 s1, $0x1;
	s2 =	sadd.s32 s2, s7;
	[tilespmem:s6+$0xFFFFFF00] =	vst v63  }
0x2bf: {  	[hbm4b:s2+s8] =	stream.linear.scatter [tilespmem:s0], [sflag:s3], $0x4000, $0x38;
	[tilespmem:$0x1C900] =	vst v63  }
0x2c0: {  	p3 =	seq.s32 @!p1 s1, $0x0;
	s0 =	sadd.s32 $0x6, s1  }
0x2c1: {  	p3 =	por !p3, p1;
	s2 =	sadd.s32 @!p1 $0xFFFFFFFF, s1;
	p2 =	sne.s32 @!p1 s0, $0x7  }
0x2c2: {  	s1 =	sadd.s32 $0x1, s1;
	s0 =	sshll.u32 @!p1 s0, $0x7;
	p2 =	por p2, p1  }
0x2c3: {  	s0 =	sand.u32 @!p1 $0x3FFFFF80, s0;
	s3 =	sadd.s32 @!p2 $0x8, s2;
	s2 =	simm.s32 @!p3 $0x6  }
0x2c4: {  	s0 =	sadd.s32 @!p1 $0x480, s0;
	_ =	swait.ge @!p2 [sflag:s3], $0x4000;
	s4 =	sshll.u32 @!p1 s2, $0xE  }
0x2c5: {  	s2 =	sadd.s32 @!p1 $0x1, s2;
	[sflag:s3] =	ssyncset.done @!p2 $0x0;
	s4 =	sand.u32 @!p1 $0x3FFFC000, s4  }
0x2c6: {  	[sflag:s3] =	ssyncadd.s32 @!p2 $0xFFFFC000;
	s3 =	sor.u32 @!p1 $0x880, s4;
	s4 =	simm.s32 @!p1 $0x80  }
0x2c7: {  	[tilespmem:s3], [sflag:s2] =	stream.indirect.gather @!p1 [hbm4b:s5+s4], $0x80, s0, s4, $0xb8;
	[tilespmem:$0x1C900] =	vst v63  }
0x2c8: {  	p1 =	sne.s32 s1, $0x8  }
.Ltmp3:
0x2c9: {  	_ = 	snop;
	(pc) =	sbr.rel @p1 .LBB2_6-.Ltmp3, $1  }
0x2ca: {  	_ =	sdelay $0x3  }
0x2cb: {  	s0 =	simm.s32 $0x9  }
0x2cc: {  	_ =	swait.ge [sflag:s0], $0x4000  }
0x2cd: {  	[sflag:s0] =	ssyncset.done $0x0  }
0x2ce: {  	s25 =	simm.s32 $0xA;
	[sflag:s0] =	ssyncadd.s32 $0xFFFFC000  }
0x2cf: {  	_ =	swait.ge [sflag:s25], $0x4000  }
0x2d0: {  	[sflag:s25] =	ssyncset.done $0x0  }
0x2d1: {  	s26 =	simm.s32 $0xB;
	[sflag:s25] =	ssyncadd.s32 $0xFFFFC000  }
0x2d2: {  	_ =	swait.ge [sflag:s26], $0x4000  }
0x2d3: {  	[sflag:s26] =	ssyncset.done $0x0  }
0x2d4: {  	s28 =	simm.s32 $0xC;
	[sflag:s26] =	ssyncadd.s32 $0xFFFFC000  }
0x2d5: {  	_ =	swait.ge [sflag:s28], $0x4000  }
0x2d6: {  	[sflag:s28] =	ssyncset.done $0x0  }
0x2d7: {  	s29 =	simm.s32 $0xD;
	[sflag:s28] =	ssyncadd.s32 $0xFFFFC000  }
0x2d8: {  	_ =	swait.ge [sflag:s29], $0x4000  }
0x2d9: {  	[sflag:s29] =	ssyncset.done $0x0  }
0x2da: {  	s30 =	simm.s32 $0xE;
	[sflag:s29] =	ssyncadd.s32 $0xFFFFC000  }
0x2db: {  	_ =	swait.ge [sflag:s30], $0x4000  }
0x2dc: {  	[sflag:s30] =	ssyncset.done $0x0  }
0x2dd: {  	s1 =	simm.s32 $0x8;
	[sflag:s30] =	ssyncadd.s32 $0xFFFFC000  }
0x2de: {  	_ =	swait.ge [sflag:s1], $0x4000  }
0x2df: {  	s2 =	sld [smem:$0x7C7]  }
0x2e0: {  	s31 =	sld [smem:$0x7FC];
	_ =	sdelay $0x1  }
0x2e1: {  	s2 =	sadd.s32 $0x1, s2  }
0x2e2: {  	p1 =	sne.s32 s2, s31  }
.Ltmp4:
0x2e3: {  	_ = 	snop;
	(pc) =	sbr.rel @p1 .LBB2_1-.Ltmp4, $3  }
0x2e4: {  	_ =	sdelay $0x1  }
0x2e5: {  	[sflag:s1] =	ssyncset.done $0x0  }
0x2e6: {  	vm9 =	vcmask $0xF0C;
	[sflag:s1] =	ssyncadd.s32 $0xFFFFC000  }
0x2e7: {  	_ =	sfence.sel $0x180000  }
0x2e8: {  	[bflag:$0x0] =	sbarrier.arrive $0xFFFF  }
0x2e9: {  	_ =	strace $0x90000047  }
0x2ea: {  	s0 =	stileid.u32;
	[bflag:$0x2] =	sbarrier.arrive $0xFFFF  }
0x2eb: {  	p0 =	sne.s32 s0, $0x0;
	s0 =	rddreg [dreg:$0x4]  }
0x2ec: {  	s0 =	sadd.s32 @!p0 $0x100000, s0  }
0x2ed: {  	[sflag:s0] =	ssyncadd.tile.s32 @!p0 $0x1;
	_ =	shalt  }
.Lfunc_end2:
_tile_overlayer_lowered:
.L_overlay_start_2:
0x2ee: {  	(tag) =	ssettag $0x2  }
0x2ef: {  	s0 =	rddreg [dreg:$0x0];
	s2 =	stileid.u32  }
0x2f0: {  	s1 =	rddreg [dreg:$0x1];
	p0 =	sne.s32 s2, $0x0  }
0x2f1: {  	s3 =	rddreg [dreg:$0x2];
	[bflag:$0x3] =	sbarrier.arrive $0xFFFF;
	s2 =	simm.s32 @!p0 $0x1C0F  }
0x2f2: {  	[timem:s3], [sflag:s2] =	dma.local @!p0 [hbm:s0], s1  }
0x2f3: {  	s0 =	simm.s32 @!p0 $0xF  }
0x2f4: {  	_ =	swait.ge @!p0 [sflag:s0], s1  }
0x2f5: {  	s1 =	ssub.s32 @!p0 $0x0, s1;
	[sflag:s0] =	ssyncset.done @!p0 $0x0  }
0x2f6: {  	[sflag:s0] =	ssyncadd.s32 @!p0 s1  }
0x2f7: {  	[bflag:$0x3] =	sbarrier.arrive $0xFFFF  }
0x2f8: {  	_ =	shalt  }

</sc_bundles>
